<compile_context>
chip_gen: v7x
topology: tpu7x:2x2x1
jax: 0.10.2.dev20260603
libtpu: 0.0.44.dev20260713+nightly
codegen_flags: <defaults>
</compile_context>

<pallas_src>
import dataclasses

import jax
import jax.numpy as jnp
from jax import lax
from jax.experimental import pallas as pl
from jax.experimental.pallas import tpu as pltpu
from jax.experimental.pallas import tpu_sc as plsc

_N = 10000
_E = 320000
_H = 128
_V = 119
_VP = 128
_NG = 64

_NW = 32
_EW = _E // _NW
_CU = _N * _VP
_ZCH = 8192
_ZPT = 10 * _ZCH
_CSZ = 16 * _ZPT
_DUMP = _CU

_T = 2000
_NT = _N // _T


def _sc_body(src_hbm, dst_hbm, xid_hbm, out_hbm,
             srcv, dstv, xidv, flat2d, zbuf, ones_v, c_sh,
             sem_in, sem_z, sem_sc):
    cid = lax.axis_index("c")
    sid = lax.axis_index("s")
    wid = cid * 16 + sid
    base = wid * _EW

    pltpu.async_copy(xid_hbm, xidv, sem_in)
    pltpu.async_copy(src_hbm.at[pl.ds(base, _EW)], srcv, sem_in)
    pltpu.async_copy(dst_hbm.at[pl.ds(base, _EW)], dstv, sem_in)

    z16 = jnp.zeros((16,), jnp.float32)

    @pl.loop(0, _ZCH, step=16)
    def _(i):
        zbuf[pl.ds(i, 16)] = z16

    @pl.loop(0, _ZPT // _ZCH)
    def _(j):
        pltpu.async_copy(zbuf, c_sh.at[pl.ds(sid * _ZPT + j * _ZCH, _ZCH)],
                         sem_z)

    o16 = jnp.ones((16,), jnp.float32)
    for k in range(8):
        ones_v[pl.ds(16 * k, 16)] = o16

    d16 = jnp.full((16,), _DUMP, jnp.int32)
    for k in range(8):
        flat2d[78, pl.ds(16 * k, 16)] = d16
        flat2d[79, pl.ds(16 * k, 16)] = d16

    pltpu.make_async_copy(xid_hbm, xidv, sem_in).wait()
    pltpu.make_async_copy(src_hbm.at[pl.ds(base, _EW)], srcv, sem_in).wait()
    pltpu.make_async_copy(dst_hbm.at[pl.ds(base, _EW)], dstv, sem_in).wait()

    @pl.loop(0, _EW // 16)
    def _(i):
        s = srcv[pl.ds(i * 16, 16)]
        d = dstv[pl.ds(i * 16, 16)]
        v = plsc.load_gather(xidv, [s])
        f = d * _VP + v
        flat2d[i // 8, pl.ds((i % 8) * 16, 16)] = f

    @pl.loop(0, _ZPT // _ZCH)
    def _(j):
        pltpu.make_async_copy(
            zbuf, c_sh.at[pl.ds(sid * _ZPT + j * _ZCH, _ZCH)], sem_z).wait()

    plsc.subcore_barrier()

    @pl.loop(0, 80)
    def _(j):
        pltpu.async_copy(ones_v, c_sh.at[flat2d.at[j]], sem_sc, add=True)

    @pl.loop(0, 80)
    def _(j):
        pltpu.make_async_copy(ones_v, c_sh.at[flat2d.at[j]], sem_sc).wait()

    plsc.subcore_barrier()

    chunk = _CU // 16
    pltpu.sync_copy(c_sh.at[pl.ds(sid * chunk, chunk)],
                    out_hbm.at[pl.ds(cid * _CU + sid * chunk, chunk)])


def _sc_counts(src, dst, x_idx):
    mesh = plsc.VectorSubcoreMesh(core_axis_name="c", subcore_axis_name="s")
    cp = pltpu.CompilerParams()
    if "needs_layout_passes" in getattr(pltpu.CompilerParams,
                                        "__dataclass_fields__", {}):
        cp = dataclasses.replace(cp, needs_layout_passes=False)
    run = pl.kernel(
        _sc_body,
        mesh=mesh,
        out_type=jax.ShapeDtypeStruct((2 * _CU,), jnp.float32),
        scratch_types=[
            pltpu.VMEM((_EW,), jnp.int32),
            pltpu.VMEM((_EW,), jnp.int32),
            pltpu.VMEM((_N,), jnp.int32),
            pltpu.VMEM((80, 128), jnp.int32),
            pltpu.VMEM((_ZCH,), jnp.float32),
            pltpu.VMEM((128,), jnp.float32),
            pltpu.VMEM_SHARED((_CSZ,), jnp.float32),
            pltpu.SemaphoreType.DMA,
            pltpu.SemaphoreType.DMA,
            pltpu.SemaphoreType.DMA,
        ],
        compiler_params=cp,
    )
    return run(src, dst, x_idx)


def _mono_body(c0_ref, c1_ref, xid_ref, eps_ref, emb_ref,
               w1_ref, b1_ref, g1_ref, be1_ref,
               w2_ref, b2_ref, g2_ref, be2_ref,
               bat_ref,
               aw1, ab1, ag1, abe1, aw2, ab2, ag2, abe2,
               bw1, bb1, bg1, bbe1, bw2, bb2, bg2, bbe2,
               fw_ref, fb_ref,
               o_ref,
               z1s, z2s, s1, ss1, s2, ss2, ps, pc):
    i = pl.program_id(0)

    @pl.when(i == 0)
    def _():
        s1[...] = jnp.zeros_like(s1)
        ss1[...] = jnp.zeros_like(ss1)
        s2[...] = jnp.zeros_like(s2)
        ss2[...] = jnp.zeros_like(ss2)
        ps[...] = jnp.zeros_like(ps)
        pc[...] = jnp.zeros_like(pc)

    @pl.when(i < _NT)
    def _():
        cc = c0_ref[...] + c1_ref[...]
        iot = lax.broadcasted_iota(jnp.int32, (_T, _VP), 1)
        oh = jnp.where(xid_ref[...] == iot, 1.0 + eps_ref[0, 0], 0.0)
        h0 = jnp.dot(cc + oh, emb_ref[...], preferred_element_type=jnp.float32,
                     precision=lax.Precision.HIGHEST)
        z1 = jnp.dot(h0, w1_ref[...],
                     preferred_element_type=jnp.float32) + b1_ref[...]
        z1s[pl.ds(i * _T, _T), :] = z1
        s1[0:1, :] += jnp.sum(z1, axis=0, keepdims=True)
        ss1[0:1, :] += jnp.sum(z1 * z1, axis=0, keepdims=True)

    @pl.when((i >= _NT) & (i < 2 * _NT))
    def _():
        t = i - _NT
        z1 = z1s[pl.ds(t * _T, _T), :]
        m = s1[0:1, :] * (1.0 / _N)
        var = ss1[0:1, :] * (1.0 / _N) - m * m
        a = jnp.maximum(
            (z1 - m) / jnp.sqrt(var + 1e-5) * g1_ref[...] + be1_ref[...], 0.0)
        z2 = jnp.dot(a, w2_ref[...],
                     preferred_element_type=jnp.float32) + b2_ref[...]
        z2s[pl.ds(t * _T, _T), :] = z2
        s2[0:1, :] += jnp.sum(z2, axis=0, keepdims=True)
        ss2[0:1, :] += jnp.sum(z2 * z2, axis=0, keepdims=True)

    @pl.when((i >= 2 * _NT) & (i < 3 * _NT))
    def _():
        t = i - 2 * _NT
        z2 = z2s[pl.ds(t * _T, _T), :]
        m = s2[0:1, :] * (1.0 / _N)
        var = ss2[0:1, :] * (1.0 / _N) - m * m
        o = jnp.maximum(
            (z2 - m) / jnp.sqrt(var + 1e-5) * g2_ref[...] + be2_ref[...], 0.0)
        brow = bat_ref[0]
        giot = lax.broadcasted_iota(jnp.int32, (_NG, _T), 0)
        P = jnp.where(giot == brow, 1.0, 0.0)
        pb = P.astype(jnp.bfloat16)
        o1 = o.astype(jnp.bfloat16)
        r1 = o - o1.astype(jnp.float32)
        o2 = r1.astype(jnp.bfloat16)
        o3 = (r1 - o2.astype(jnp.float32)).astype(jnp.bfloat16)
        acc = (jnp.dot(pb, o1, preferred_element_type=jnp.float32)
               + jnp.dot(pb, o2, preferred_element_type=jnp.float32)
               + jnp.dot(pb, o3, preferred_element_type=jnp.float32))
        ps[...] += acc
        pc[:, 0:1] += jnp.sum(P, axis=1, keepdims=True)

    @pl.when(i == 3 * _NT)
    def _():
        cnt = jnp.maximum(pc[:, 0:1], 1.0)
        g = ps[...] / cnt

        def bn(x, ga, be):
            mu = jnp.mean(x, axis=0, keepdims=True)
            va = jnp.mean((x - mu) * (x - mu), axis=0, keepdims=True)
            return (x - mu) / jnp.sqrt(va + 1e-5) * ga + be

        def layer(x, w, b, ga, be):
            z = jnp.dot(x, w[...],
                        preferred_element_type=jnp.float32) + b[...]
            return jnp.maximum(bn(z, ga[...], be[...]), 0.0)

        g = layer(g, aw1, ab1, ag1, abe1)
        g = layer(g, aw2, ab2, ag2, abe2)
        g = layer(g, bw1, bb1, bg1, bbe1)
        g = layer(g, bw2, bb2, bg2, bbe2)
        o = jnp.dot(g, fw_ref[...], preferred_element_type=jnp.float32)
        o_ref[...] = o[:, 0:1] + fb_ref[0, 0]


def _full(i):
    return (0, 0)


def kernel(x_idx, edge_index, batch, emb_table, eps,
           cW1, cb1, cg1, cbe1, cW2, cb2, cg2, cbe2,
           l1W1, l1b1, l1g1, l1be1, l1W2, l1b2, l1g2, l1be2,
           l2W1, l2b1, l2g1, l2be1, l2W2, l2b2, l2g2, l2be2,
           fW, fb):
    x_idx = x_idx.astype(jnp.int32)
    src = edge_index[0].astype(jnp.int32)
    dst = edge_index[1].astype(jnp.int32)

    c_flat = _sc_counts(src, dst, x_idx)
    c3 = c_flat.reshape(2, _N, _VP)

    emb_p = jnp.zeros((_VP, _H), jnp.float32).at[:_V].set(emb_table)
    x2d = x_idx.reshape(_N, 1)
    brow = batch.astype(jnp.int32).reshape(_NT, 1, _T)
    fwp = jnp.zeros((_H, _H), jnp.float32).at[:, 0:1].set(fW)

    def rows_c(i):
        return (jnp.minimum(i, _NT - 1), 0)

    def rows_b(i):
        return (jnp.clip(i - 2 * _NT, 0, _NT - 1), 0, 0)

    mats = pl.BlockSpec((_H, _H), _full)
    vec = pl.BlockSpec((1, _H), _full)

    out = pl.pallas_call(
        _mono_body,
        grid=(3 * _NT + 1,),
        in_specs=[
            pl.BlockSpec((_T, _VP), rows_c),
            pl.BlockSpec((_T, _VP), rows_c),
            pl.BlockSpec((_T, 1), rows_c),
            pl.BlockSpec((1, 1), _full),
            pl.BlockSpec((_VP, _H), _full),
            mats, vec, vec, vec,
            mats, vec, vec, vec,
            pl.BlockSpec((1, 1, _T), rows_b),
            mats, vec, vec, vec,
            mats, vec, vec, vec,
            mats, vec, vec, vec,
            mats, vec, vec, vec,
            mats, pl.BlockSpec((1, 1), _full),
        ],
        out_specs=pl.BlockSpec((_NG, 1), _full),
        out_shape=jax.ShapeDtypeStruct((_NG, 1), jnp.float32),
        scratch_shapes=[
            pltpu.VMEM((_N, _H), jnp.float32),
            pltpu.VMEM((_N, _H), jnp.float32),
            pltpu.VMEM((8, _H), jnp.float32),
            pltpu.VMEM((8, _H), jnp.float32),
            pltpu.VMEM((8, _H), jnp.float32),
            pltpu.VMEM((8, _H), jnp.float32),
            pltpu.VMEM((_NG, _H), jnp.float32),
            pltpu.VMEM((_NG, _H), jnp.float32),
        ],
    )(c3[0], c3[1], x2d, eps, emb_p,
      cW1, cb1.reshape(1, _H), cg1.reshape(1, _H), cbe1.reshape(1, _H),
      cW2, cb2.reshape(1, _H), cg2.reshape(1, _H), cbe2.reshape(1, _H),
      brow,
      l1W1, l1b1.reshape(1, _H), l1g1.reshape(1, _H), l1be1.reshape(1, _H),
      l1W2, l1b2.reshape(1, _H), l1g2.reshape(1, _H), l1be2.reshape(1, _H),
      l2W1, l2b1.reshape(1, _H), l2g1.reshape(1, _H), l2be1.reshape(1, _H),
      l2W2, l2b2.reshape(1, _H), l2g2.reshape(1, _H), l2be2.reshape(1, _H),
      fwp, fb.reshape(1, 1))

    return out

# --- scband reference (transcript-rebuilt; emitter-appended) ---
"""Pipeline reference for scband-gin-test-50869592655530 (READ-ONLY COPY).

The authoritative reference and input builder live on the scoring server;
editing this copy changes nothing except your own understanding.
"""

import jax, jax.numpy as jnp
import numpy as np

N = 10000   # nodes
E = 320000  # edges
H = 128     # hidden_dim
D = 128     # dense_dim
NG = 64     # num graphs in batch
V = 119     # num_node_attr (vocab for node embedding)


def setup_inputs(seed: int = 0) -> dict:
    key = jax.random.key(seed)
    keys = iter(jax.random.split(key, 64))
    inp = {}
    inp["x_idx"] = jax.random.randint(next(keys), (N,), 0, V)
    inp["edge_index"] = jax.random.randint(next(keys), (2, E), 0, N)
    inp["batch"] = jnp.sort(jax.random.randint(next(keys), (N,), 0, NG))
    inp["emb_table"] = jax.random.normal(next(keys), (V, H), jnp.float32) * 0.02
    inp["eps"] = jnp.array([[0.01]], jnp.float32)

    def add_mlp(prefix, i, m, o):
        inp[prefix + "W1"] = jax.random.normal(next(keys), (i, m), jnp.float32) / np.sqrt(i)
        inp[prefix + "b1"] = jnp.zeros((m,), jnp.float32)
        inp[prefix + "g1"] = jnp.ones((m,), jnp.float32)
        inp[prefix + "be1"] = jnp.zeros((m,), jnp.float32)
        inp[prefix + "W2"] = jax.random.normal(next(keys), (m, o), jnp.float32) / np.sqrt(m)
        inp[prefix + "b2"] = jnp.zeros((o,), jnp.float32)
        inp[prefix + "g2"] = jnp.ones((o,), jnp.float32)
        inp[prefix + "be2"] = jnp.zeros((o,), jnp.float32)

    add_mlp("c", H, D, H)    # GINConv MLP: Linear(H,D)+BN+ReLU+Linear(D,H)+BN+ReLU
    add_mlp("l1", H, D, D)   # lin1
    add_mlp("l2", D, D, H)   # lin2
    inp["fW"] = jax.random.normal(next(keys), (H, 1), jnp.float32) / np.sqrt(H)
    inp["fb"] = jnp.zeros((1,), jnp.float32)
    return inp


def _bn(x, g, b):
    # BatchNorm1d, training-mode statistics (faithful to torch default train forward)
    m = jnp.mean(x, axis=0)
    v = jnp.var(x, axis=0)
    return (x - m) / jnp.sqrt(v + 1e-5) * g + b


def _mlp(x, W1, b1, g1, be1, W2, b2, g2, be2):
    x = jax.nn.relu(_bn(x @ W1 + b1, g1, be1))
    x = jax.nn.relu(_bn(x @ W2 + b2, g2, be2))
    return x


def reference(x_idx, edge_index, batch, emb_table, eps,
              cW1, cb1, cg1, cbe1, cW2, cb2, cg2, cbe2,
              l1W1, l1b1, l1g1, l1be1, l1W2, l1b2, l1g2, l1be2,
              l2W1, l2b1, l2g1, l2be1, l2W2, l2b2, l2g2, l2be2,
              fW, fb):
    # node embedding lookup
    h = jnp.take(emb_table, x_idx, axis=0)                     # [N, H]
    # GINConv: ptens gather node->edge, edge->node sum, minus deg*x reduces to
    # plain neighbor-sum aggregation (asserted equal to torch_geometric GINConv)
    src = edge_index[0]
    dst = edge_index[1]
    agg = jnp.zeros((N, H), jnp.float32).at[dst].add(jnp.take(h, src, axis=0))
    out = (1.0 + eps[0, 0]) * h + agg                          # [N, H]
    out = _mlp(out, cW1, cb1, cg1, cbe1, cW2, cb2, cg2, cbe2)  # [N, H]
    # global mean pool over graphs
    s = jax.ops.segment_sum(out, batch, num_segments=NG)
    cnt = jax.ops.segment_sum(jnp.ones((N, 1), jnp.float32), batch, num_segments=NG)
    g = s / jnp.maximum(cnt, 1.0)                              # [NG, H]
    # lin1 + extra F.relu; dropout is identity at inference
    g = jax.nn.relu(_mlp(g, l1W1, l1b1, l1g1, l1be1, l1W2, l1b2, l1g2, l1be2))
    # lin2
    g = _mlp(g, l2W1, l2b1, l2g1, l2be1, l2W2, l2b2, l2g2, l2be2)
    # final linear
    return g @ fW + fb                                         # [NG, 1]


if False:  # reference __main__ guard neutralized (emitter)
    out = reference(**setup_inputs())
    print(out.shape, out.dtype)

if __name__ == "__main__":
    import jax
    _d = setup_inputs()
    print(jax.jit(kernel)(*tuple(_d.values())))

</pallas_src>

<mosaic_0001>
#map = affine_map<(d0, d1) -> (0)>
module attributes {stable_mosaic.version = 14 : i64} {
  func.func @_sc_body(%arg0: i32, %arg1: i32, %arg2: memref<320000xi32, #tpu.memory_space<hbm>>, %arg3: memref<320000xi32, #tpu.memory_space<hbm>>, %arg4: memref<10000xi32, #tpu.memory_space<hbm>>, %arg5: memref<2560000xf32, #tpu.memory_space<hbm>>, %arg6: memref<10000xi32, #tpu.memory_space<vmem>>, %arg7: memref<10000xi32, #tpu.memory_space<vmem>>, %arg8: memref<10000xi32, #tpu.memory_space<vmem>>, %arg9: memref<80x128xi32, #tpu.memory_space<vmem>>, %arg10: memref<8192xf32, #tpu.memory_space<vmem>>, %arg11: memref<128xf32, #tpu.memory_space<vmem>>, %arg12: memref<1310720xf32, #tpu.memory_space<vmem_shared>>, %arg13: memref<!tpu.dma_semaphore, #tpu.memory_space<semaphore_mem>>, %arg14: memref<!tpu.dma_semaphore, #tpu.memory_space<semaphore_mem>>, %arg15: memref<!tpu.dma_semaphore, #tpu.memory_space<semaphore_mem>>) attributes {dimension_semantics = [#tpu.dimension_semantics<core_parallel>, #tpu.dimension_semantics<subcore_parallel>], iteration_bounds = array<i64: 2, 16>, scalar_prefetch = 0 : i64, scratch_operands = 10 : i64, tpu.core_type = #tpu.core_type<sc_vector_subcore>, window_params = [{transform_indices = #map}, {transform_indices = #map}, {transform_indices = #map}, {transform_indices = #map}]} {
    %mul3A = arith.constant 16 : i32
    %mul3A_0 = arith.muli %arg0, %mul3A : i32
    %add3A = arith.addi %mul3A_0, %arg1 : i32
    %mul3A_1 = arith.constant 10000 : i32
    %mul3A_2 = arith.muli %add3A, %mul3A_1 : i32
    tpu.enqueue_dma source(%arg4 : memref<10000xi32, #tpu.memory_space<hbm>>) target(%arg8 : memref<10000xi32, #tpu.memory_space<vmem>>) target_semaphore(%arg13 : memref<!tpu.dma_semaphore, #tpu.memory_space<semaphore_mem>>)
    %dma_start3A = tpu.memref_slice %arg2[%mul3A_2] : memref<320000xi32, #tpu.memory_space<hbm>> -> memref<10000xi32, #tpu.memory_space<hbm>>
    %dma_start3A_3 = tpu.memref_slice %arg2[%mul3A_2] : memref<320000xi32, #tpu.memory_space<hbm>> -> memref<10000xi32, #tpu.memory_space<hbm>>
    tpu.enqueue_dma source(%dma_start3A_3 : memref<10000xi32, #tpu.memory_space<hbm>>) target(%arg6 : memref<10000xi32, #tpu.memory_space<vmem>>) target_semaphore(%arg13 : memref<!tpu.dma_semaphore, #tpu.memory_space<semaphore_mem>>)
    %dma_start3A_4 = tpu.memref_slice %arg3[%mul3A_2] : memref<320000xi32, #tpu.memory_space<hbm>> -> memref<10000xi32, #tpu.memory_space<hbm>>
    %dma_start3A_5 = tpu.memref_slice %arg3[%mul3A_2] : memref<320000xi32, #tpu.memory_space<hbm>> -> memref<10000xi32, #tpu.memory_space<hbm>>
    tpu.enqueue_dma source(%dma_start3A_5 : memref<10000xi32, #tpu.memory_space<hbm>>) target(%arg7 : memref<10000xi32, #tpu.memory_space<vmem>>) target_semaphore(%arg13 : memref<!tpu.dma_semaphore, #tpu.memory_space<semaphore_mem>>)
    %broadcast_in_dim3A = arith.constant 0.000000e+00 : f32
    %broadcast_in_dim3A_6 = vector.broadcast %broadcast_in_dim3A : f32 to vector<16xf32>
    %scan3A = arith.constant 0 : i32
    %scan3A_7 = arith.constant 512 : i32
    %scan3A_8 = arith.addi %scan3A, %scan3A_7 : i32
    %scan3A_9 = arith.constant 1 : i32
    scf.for %scan3A_130 = %scan3A to %scan3A_8 step %scan3A_9  : i32 {
      %mul3A_131 = arith.constant 16 : i32
      %mul3A_132 = arith.muli %scan3A_130, %mul3A_131 : i32
      %add3A_133 = arith.constant 0 : i32
      %add3A_134 = arith.addi %add3A_133, %mul3A_132 : i32
      %swap3A_135 = arith.index_cast %add3A_134 : i32 to index
      %swap3A_136 = tpu.vector_load %arg10[%swap3A_135] {strides = array<i32>} : memref<8192xf32, #tpu.memory_space<vmem>>, vector<16xf32>,
      tpu.vector_store %arg10[%swap3A_135], %broadcast_in_dim3A_6 {strides = array<i32>} : memref<8192xf32, #tpu.memory_space<vmem>>, vector<16xf32>,
    }
    %scan3A_10 = arith.constant 512 : i32
    %scan3A_11 = arith.constant 0 : i32
    %scan3A_12 = arith.constant 10 : i32
    %scan3A_13 = arith.addi %scan3A_11, %scan3A_12 : i32
    %scan3A_14 = arith.constant 1 : i32
    scf.for %scan3A_130 = %scan3A_11 to %scan3A_13 step %scan3A_14  : i32 {
      %mul3A_131 = arith.constant 1 : i32
      %mul3A_132 = arith.muli %scan3A_130, %mul3A_131 : i32
      %add3A_133 = arith.constant 0 : i32
      %add3A_134 = arith.addi %add3A_133, %mul3A_132 : i32
      %mul3A_135 = arith.constant 81920 : i32
      %mul3A_136 = arith.muli %arg1, %mul3A_135 : i32
      %mul3A_137 = arith.constant 8192 : i32
      %mul3A_138 = arith.muli %add3A_134, %mul3A_137 : i32
      %add3A_139 = arith.addi %mul3A_136, %mul3A_138 : i32
      %dma_start3A_140 = tpu.memref_slice %arg12[%add3A_139] : memref<1310720xf32, #tpu.memory_space<vmem_shared>> -> memref<8192xf32, #tpu.memory_space<vmem_shared>>
      %dma_start3A_141 = tpu.memref_slice %arg12[%add3A_139] : memref<1310720xf32, #tpu.memory_space<vmem_shared>> -> memref<8192xf32, #tpu.memory_space<vmem_shared>>
      tpu.enqueue_dma source(%arg10 : memref<8192xf32, #tpu.memory_space<vmem>>) target(%dma_start3A_141 : memref<8192xf32, #tpu.memory_space<vmem_shared>>) target_semaphore(%arg14 : memref<!tpu.dma_semaphore, #tpu.memory_space<semaphore_mem>>)
    }
    %scan3A_15 = arith.constant 10 : i32
    %broadcast_in_dim3A_16 = arith.constant 1.000000e+00 : f32
    %broadcast_in_dim3A_17 = vector.broadcast %broadcast_in_dim3A_16 : f32 to vector<16xf32>
    %swap3A = arith.constant 0 : index
    %swap3A_18 = tpu.vector_load %arg11[%swap3A] {strides = array<i32>} : memref<128xf32, #tpu.memory_space<vmem>>, vector<16xf32>,
    tpu.vector_store %arg11[%swap3A], %broadcast_in_dim3A_17 {strides = array<i32>} : memref<128xf32, #tpu.memory_space<vmem>>, vector<16xf32>,
    %swap3A_19 = arith.constant 16 : index
    %swap3A_20 = tpu.vector_load %arg11[%swap3A_19] {strides = array<i32>} : memref<128xf32, #tpu.memory_space<vmem>>, vector<16xf32>,
    tpu.vector_store %arg11[%swap3A_19], %broadcast_in_dim3A_17 {strides = array<i32>} : memref<128xf32, #tpu.memory_space<vmem>>, vector<16xf32>,
    %swap3A_21 = arith.constant 32 : index
    %swap3A_22 = tpu.vector_load %arg11[%swap3A_21] {strides = array<i32>} : memref<128xf32, #tpu.memory_space<vmem>>, vector<16xf32>,
    tpu.vector_store %arg11[%swap3A_21], %broadcast_in_dim3A_17 {strides = array<i32>} : memref<128xf32, #tpu.memory_space<vmem>>, vector<16xf32>,
    %swap3A_23 = arith.constant 48 : index
    %swap3A_24 = tpu.vector_load %arg11[%swap3A_23] {strides = array<i32>} : memref<128xf32, #tpu.memory_space<vmem>>, vector<16xf32>,
    tpu.vector_store %arg11[%swap3A_23], %broadcast_in_dim3A_17 {strides = array<i32>} : memref<128xf32, #tpu.memory_space<vmem>>, vector<16xf32>,
    %swap3A_25 = arith.constant 64 : index
    %swap3A_26 = tpu.vector_load %arg11[%swap3A_25] {strides = array<i32>} : memref<128xf32, #tpu.memory_space<vmem>>, vector<16xf32>,
    tpu.vector_store %arg11[%swap3A_25], %broadcast_in_dim3A_17 {strides = array<i32>} : memref<128xf32, #tpu.memory_space<vmem>>, vector<16xf32>,
    %swap3A_27 = arith.constant 80 : index
    %swap3A_28 = tpu.vector_load %arg11[%swap3A_27] {strides = array<i32>} : memref<128xf32, #tpu.memory_space<vmem>>, vector<16xf32>,
    tpu.vector_store %arg11[%swap3A_27], %broadcast_in_dim3A_17 {strides = array<i32>} : memref<128xf32, #tpu.memory_space<vmem>>, vector<16xf32>,
    %swap3A_29 = arith.constant 96 : index
    %swap3A_30 = tpu.vector_load %arg11[%swap3A_29] {strides = array<i32>} : memref<128xf32, #tpu.memory_space<vmem>>, vector<16xf32>,
    tpu.vector_store %arg11[%swap3A_29], %broadcast_in_dim3A_17 {strides = array<i32>} : memref<128xf32, #tpu.memory_space<vmem>>, vector<16xf32>,
    %swap3A_31 = arith.constant 112 : index
    %swap3A_32 = tpu.vector_load %arg11[%swap3A_31] {strides = array<i32>} : memref<128xf32, #tpu.memory_space<vmem>>, vector<16xf32>,
    tpu.vector_store %arg11[%swap3A_31], %broadcast_in_dim3A_17 {strides = array<i32>} : memref<128xf32, #tpu.memory_space<vmem>>, vector<16xf32>,
    %broadcast_in_dim3A_33 = arith.constant 1280000 : i32
    %broadcast_in_dim3A_34 = vector.broadcast %broadcast_in_dim3A_33 : i32 to vector<16xi32>
    %swap3A_35 = arith.constant 78 : i32
    %swap3A_36 = arith.index_cast %swap3A_35 : i32 to index
    %swap3A_37 = arith.constant 0 : index
    %swap3A_38 = tpu.vector_load %arg9[%swap3A_36, %swap3A_37] {strides = array<i32>} : memref<80x128xi32, #tpu.memory_space<vmem>>, vector<16xi32>,
    tpu.vector_store %arg9[%swap3A_36, %swap3A_37], %broadcast_in_dim3A_34 {strides = array<i32>} : memref<80x128xi32, #tpu.memory_space<vmem>>, vector<16xi32>,
    %swap3A_39 = arith.constant 79 : i32
    %swap3A_40 = arith.index_cast %swap3A_39 : i32 to index
    %swap3A_41 = arith.constant 0 : index
    %swap3A_42 = tpu.vector_load %arg9[%swap3A_40, %swap3A_41] {strides = array<i32>} : memref<80x128xi32, #tpu.memory_space<vmem>>, vector<16xi32>,
    tpu.vector_store %arg9[%swap3A_40, %swap3A_41], %broadcast_in_dim3A_34 {strides = array<i32>} : memref<80x128xi32, #tpu.memory_space<vmem>>, vector<16xi32>,
    %swap3A_43 = arith.constant 78 : i32
    %swap3A_44 = arith.index_cast %swap3A_43 : i32 to index
    %swap3A_45 = arith.constant 16 : index
    %swap3A_46 = tpu.vector_load %arg9[%swap3A_44, %swap3A_45] {strides = array<i32>} : memref<80x128xi32, #tpu.memory_space<vmem>>, vector<16xi32>,
    tpu.vector_store %arg9[%swap3A_44, %swap3A_45], %broadcast_in_dim3A_34 {strides = array<i32>} : memref<80x128xi32, #tpu.memory_space<vmem>>, vector<16xi32>,
    %swap3A_47 = arith.constant 79 : i32
    %swap3A_48 = arith.index_cast %swap3A_47 : i32 to index
    %swap3A_49 = arith.constant 16 : index
    %swap3A_50 = tpu.vector_load %arg9[%swap3A_48, %swap3A_49] {strides = array<i32>} : memref<80x128xi32, #tpu.memory_space<vmem>>, vector<16xi32>,
    tpu.vector_store %arg9[%swap3A_48, %swap3A_49], %broadcast_in_dim3A_34 {strides = array<i32>} : memref<80x128xi32, #tpu.memory_space<vmem>>, vector<16xi32>,
    %swap3A_51 = arith.constant 78 : i32
    %swap3A_52 = arith.index_cast %swap3A_51 : i32 to index
    %swap3A_53 = arith.constant 32 : index
    %swap3A_54 = tpu.vector_load %arg9[%swap3A_52, %swap3A_53] {strides = array<i32>} : memref<80x128xi32, #tpu.memory_space<vmem>>, vector<16xi32>,
    tpu.vector_store %arg9[%swap3A_52, %swap3A_53], %broadcast_in_dim3A_34 {strides = array<i32>} : memref<80x128xi32, #tpu.memory_space<vmem>>, vector<16xi32>,
    %swap3A_55 = arith.constant 79 : i32
    %swap3A_56 = arith.index_cast %swap3A_55 : i32 to index
    %swap3A_57 = arith.constant 32 : index
    %swap3A_58 = tpu.vector_load %arg9[%swap3A_56, %swap3A_57] {strides = array<i32>} : memref<80x128xi32, #tpu.memory_space<vmem>>, vector<16xi32>,
    tpu.vector_store %arg9[%swap3A_56, %swap3A_57], %broadcast_in_dim3A_34 {strides = array<i32>} : memref<80x128xi32, #tpu.memory_space<vmem>>, vector<16xi32>,
    %swap3A_59 = arith.constant 78 : i32
    %swap3A_60 = arith.index_cast %swap3A_59 : i32 to index
    %swap3A_61 = arith.constant 48 : index
    %swap3A_62 = tpu.vector_load %arg9[%swap3A_60, %swap3A_61] {strides = array<i32>} : memref<80x128xi32, #tpu.memory_space<vmem>>, vector<16xi32>,
    tpu.vector_store %arg9[%swap3A_60, %swap3A_61], %broadcast_in_dim3A_34 {strides = array<i32>} : memref<80x128xi32, #tpu.memory_space<vmem>>, vector<16xi32>,
    %swap3A_63 = arith.constant 79 : i32
    %swap3A_64 = arith.index_cast %swap3A_63 : i32 to index
    %swap3A_65 = arith.constant 48 : index
    %swap3A_66 = tpu.vector_load %arg9[%swap3A_64, %swap3A_65] {strides = array<i32>} : memref<80x128xi32, #tpu.memory_space<vmem>>, vector<16xi32>,
    tpu.vector_store %arg9[%swap3A_64, %swap3A_65], %broadcast_in_dim3A_34 {strides = array<i32>} : memref<80x128xi32, #tpu.memory_space<vmem>>, vector<16xi32>,
    %swap3A_67 = arith.constant 78 : i32
    %swap3A_68 = arith.index_cast %swap3A_67 : i32 to index
    %swap3A_69 = arith.constant 64 : index
    %swap3A_70 = tpu.vector_load %arg9[%swap3A_68, %swap3A_69] {strides = array<i32>} : memref<80x128xi32, #tpu.memory_space<vmem>>, vector<16xi32>,
    tpu.vector_store %arg9[%swap3A_68, %swap3A_69], %broadcast_in_dim3A_34 {strides = array<i32>} : memref<80x128xi32, #tpu.memory_space<vmem>>, vector<16xi32>,
    %swap3A_71 = arith.constant 79 : i32
    %swap3A_72 = arith.index_cast %swap3A_71 : i32 to index
    %swap3A_73 = arith.constant 64 : index
    %swap3A_74 = tpu.vector_load %arg9[%swap3A_72, %swap3A_73] {strides = array<i32>} : memref<80x128xi32, #tpu.memory_space<vmem>>, vector<16xi32>,
    tpu.vector_store %arg9[%swap3A_72, %swap3A_73], %broadcast_in_dim3A_34 {strides = array<i32>} : memref<80x128xi32, #tpu.memory_space<vmem>>, vector<16xi32>,
    %swap3A_75 = arith.constant 78 : i32
    %swap3A_76 = arith.index_cast %swap3A_75 : i32 to index
    %swap3A_77 = arith.constant 80 : index
    %swap3A_78 = tpu.vector_load %arg9[%swap3A_76, %swap3A_77] {strides = array<i32>} : memref<80x128xi32, #tpu.memory_space<vmem>>, vector<16xi32>,
    tpu.vector_store %arg9[%swap3A_76, %swap3A_77], %broadcast_in_dim3A_34 {strides = array<i32>} : memref<80x128xi32, #tpu.memory_space<vmem>>, vector<16xi32>,
    %swap3A_79 = arith.constant 79 : i32
    %swap3A_80 = arith.index_cast %swap3A_79 : i32 to index
    %swap3A_81 = arith.constant 80 : index
    %swap3A_82 = tpu.vector_load %arg9[%swap3A_80, %swap3A_81] {strides = array<i32>} : memref<80x128xi32, #tpu.memory_space<vmem>>, vector<16xi32>,
    tpu.vector_store %arg9[%swap3A_80, %swap3A_81], %broadcast_in_dim3A_34 {strides = array<i32>} : memref<80x128xi32, #tpu.memory_space<vmem>>, vector<16xi32>,
    %swap3A_83 = arith.constant 78 : i32
    %swap3A_84 = arith.index_cast %swap3A_83 : i32 to index
    %swap3A_85 = arith.constant 96 : index
    %swap3A_86 = tpu.vector_load %arg9[%swap3A_84, %swap3A_85] {strides = array<i32>} : memref<80x128xi32, #tpu.memory_space<vmem>>, vector<16xi32>,
    tpu.vector_store %arg9[%swap3A_84, %swap3A_85], %broadcast_in_dim3A_34 {strides = array<i32>} : memref<80x128xi32, #tpu.memory_space<vmem>>, vector<16xi32>,
    %swap3A_87 = arith.constant 79 : i32
    %swap3A_88 = arith.index_cast %swap3A_87 : i32 to index
    %swap3A_89 = arith.constant 96 : index
    %swap3A_90 = tpu.vector_load %arg9[%swap3A_88, %swap3A_89] {strides = array<i32>} : memref<80x128xi32, #tpu.memory_space<vmem>>, vector<16xi32>,
    tpu.vector_store %arg9[%swap3A_88, %swap3A_89], %broadcast_in_dim3A_34 {strides = array<i32>} : memref<80x128xi32, #tpu.memory_space<vmem>>, vector<16xi32>,
    %swap3A_91 = arith.constant 78 : i32
    %swap3A_92 = arith.index_cast %swap3A_91 : i32 to index
    %swap3A_93 = arith.constant 112 : index
    %swap3A_94 = tpu.vector_load %arg9[%swap3A_92, %swap3A_93] {strides = array<i32>} : memref<80x128xi32, #tpu.memory_space<vmem>>, vector<16xi32>,
    tpu.vector_store %arg9[%swap3A_92, %swap3A_93], %broadcast_in_dim3A_34 {strides = array<i32>} : memref<80x128xi32, #tpu.memory_space<vmem>>, vector<16xi32>,
    %swap3A_95 = arith.constant 79 : i32
    %swap3A_96 = arith.index_cast %swap3A_95 : i32 to index
    %swap3A_97 = arith.constant 112 : index
    %swap3A_98 = tpu.vector_load %arg9[%swap3A_96, %swap3A_97] {strides = array<i32>} : memref<80x128xi32, #tpu.memory_space<vmem>>, vector<16xi32>,
    tpu.vector_store %arg9[%swap3A_96, %swap3A_97], %broadcast_in_dim3A_34 {strides = array<i32>} : memref<80x128xi32, #tpu.memory_space<vmem>>, vector<16xi32>,
    tpu.wait_dma2 semaphore(%arg13 : memref<!tpu.dma_semaphore, #tpu.memory_space<semaphore_mem>>) src(%arg4 : memref<10000xi32, #tpu.memory_space<hbm>>) dst(%arg8 : memref<10000xi32, #tpu.memory_space<vmem>>)
    %dma_wait3A = tpu.memref_slice %arg2[%mul3A_2] : memref<320000xi32, #tpu.memory_space<hbm>> -> memref<10000xi32, #tpu.memory_space<hbm>>
    %dma_wait3A_99 = tpu.memref_slice %arg2[%mul3A_2] : memref<320000xi32, #tpu.memory_space<hbm>> -> memref<10000xi32, #tpu.memory_space<hbm>>
    tpu.wait_dma2 semaphore(%arg13 : memref<!tpu.dma_semaphore, #tpu.memory_space<semaphore_mem>>) src(%dma_wait3A_99 : memref<10000xi32, #tpu.memory_space<hbm>>) dst(%arg6 : memref<10000xi32, #tpu.memory_space<vmem>>)
    %dma_wait3A_100 = tpu.memref_slice %arg3[%mul3A_2] : memref<320000xi32, #tpu.memory_space<hbm>> -> memref<10000xi32, #tpu.memory_space<hbm>>
    %dma_wait3A_101 = tpu.memref_slice %arg3[%mul3A_2] : memref<320000xi32, #tpu.memory_space<hbm>> -> memref<10000xi32, #tpu.memory_space<hbm>>
    tpu.wait_dma2 semaphore(%arg13 : memref<!tpu.dma_semaphore, #tpu.memory_space<semaphore_mem>>) src(%dma_wait3A_101 : memref<10000xi32, #tpu.memory_space<hbm>>) dst(%arg7 : memref<10000xi32, #tpu.memory_space<vmem>>)
    %scan3A_102 = arith.constant 0 : i32
    %scan3A_103 = arith.constant 625 : i32
    %scan3A_104 = arith.addi %scan3A_102, %scan3A_103 : i32
    %scan3A_105 = arith.constant 1 : i32
    scf.for %scan3A_130 = %scan3A_102 to %scan3A_104 step %scan3A_105  : i32 {
      %mul3A_131 = arith.constant 1 : i32
      %mul3A_132 = arith.muli %scan3A_130, %mul3A_131 : i32
      %add3A_133 = arith.constant 0 : i32
      %add3A_134 = arith.addi %add3A_133, %mul3A_132 : i32
      %mul3A_135 = arith.constant 16 : i32
      %mul3A_136 = arith.muli %add3A_134, %mul3A_135 : i32
      %get3A = arith.index_cast %mul3A_136 : i32 to index
      %get3A_137 = tpu.vector_load %arg6[%get3A] {strides = array<i32>} : memref<10000xi32, #tpu.memory_space<vmem>>, vector<16xi32>,
      %mul3A_138 = arith.constant 16 : i32
      %mul3A_139 = arith.muli %add3A_134, %mul3A_138 : i32
      %get3A_140 = arith.index_cast %mul3A_139 : i32 to index
      %get3A_141 = tpu.vector_load %arg7[%get3A_140] {strides = array<i32>} : memref<10000xi32, #tpu.memory_space<vmem>>, vector<16xi32>,
      %gather3A = tpu.vector_load_idx %arg8[%get3A_137] : memref<10000xi32, #tpu.memory_space<vmem>>[vector<16xi32>], vector<16xi32>,
      %mul3A_142 = arith.constant 128 : i32
      %mul3A_143 = vector.broadcast %mul3A_142 : i32 to vector<16xi32>
      %mul3A_144 = arith.muli %get3A_141, %mul3A_143 : vector<16xi32>
      %add3A_145 = arith.addi %mul3A_144, %gather3A : vector<16xi32>
      %jit3A = arith.constant 8 : i32
      %div3A = arith.divsi %add3A_134, %jit3A : i32
      %sign3A = arith.constant 0 : i32
      %sign3A_146 = arith.cmpi sgt, %add3A_134, %sign3A : i32
      %sign3A_147 = arith.extui %sign3A_146 : i1 to i32
      %sign3A_148 = arith.constant 0 : i32
      %sign3A_149 = arith.cmpi slt, %add3A_134, %sign3A_148 : i32
      %sign3A_150 = arith.extui %sign3A_149 : i1 to i32
      %sign3A_151 = arith.subi %sign3A_147, %sign3A_150 : i32
      %sign3A_152 = arith.constant 0 : i32
      %sign3A_153 = arith.cmpi sgt, %jit3A, %sign3A_152 : i32
      %sign3A_154 = arith.extui %sign3A_153 : i1 to i32
      %sign3A_155 = arith.constant 0 : i32
      %sign3A_156 = arith.cmpi slt, %jit3A, %sign3A_155 : i32
      %sign3A_157 = arith.extui %sign3A_156 : i1 to i32
      %sign3A_158 = arith.subi %sign3A_154, %sign3A_157 : i32
      %ne3A = arith.cmpi ne, %sign3A_151, %sign3A_158 : i32
      %rem3A = arith.remsi %add3A_134, %jit3A : i32
      %ne3A_159 = arith.constant 0 : i32
      %ne3A_160 = arith.cmpi ne, %rem3A, %ne3A_159 : i32
      %and3A = arith.andi %ne3A, %ne3A_160 : i1
      %sub3A = arith.constant 1 : i32
      %sub3A_161 = arith.subi %div3A, %sub3A : i32
      %select_n3A = arith.select %and3A, %sub3A_161, %div3A : i32
      %jit3A_162 = arith.constant 8 : i32
      %eq3A = arith.constant 0 : i32
      %eq3A_163 = arith.cmpi eq, %jit3A_162, %eq3A : i32
      %jit3A_164 = arith.constant 1 : i32
      %select_n3A_165 = arith.select %eq3A_163, %jit3A_164, %jit3A_162 : i32
      %rem3A_166 = arith.remsi %add3A_134, %select_n3A_165 : i32
      %ne3A_167 = arith.constant 0 : i32
      %ne3A_168 = arith.cmpi ne, %rem3A_166, %ne3A_167 : i32
      %lt3A = arith.constant 0 : i32
      %lt3A_169 = arith.cmpi slt, %rem3A_166, %lt3A : i32
      %lt3A_170 = arith.constant 0 : i32
      %lt3A_171 = arith.cmpi slt, %select_n3A_165, %lt3A_170 : i32
      %ne3A_172 = arith.xori %lt3A_169, %lt3A_171 : i1
      %and3A_173 = arith.andi %ne3A_172, %ne3A_168 : i1
      %add3A_174 = arith.addi %rem3A_166, %select_n3A_165 : i32
      %select_n3A_175 = arith.select %and3A_173, %add3A_174, %rem3A_166 : i32
      %mul3A_176 = arith.constant 16 : i32
      %mul3A_177 = arith.muli %select_n3A_175, %mul3A_176 : i32
      %swap3A_178 = arith.index_cast %select_n3A : i32 to index
      %swap3A_179 = arith.index_cast %mul3A_177 : i32 to index
      %swap3A_180 = tpu.vector_load %arg9[%swap3A_178, %swap3A_179] {strides = array<i32>} : memref<80x128xi32, #tpu.memory_space<vmem>>, vector<16xi32>,
      tpu.vector_store %arg9[%swap3A_178, %swap3A_179], %add3A_145 {strides = array<i32>} : memref<80x128xi32, #tpu.memory_space<vmem>>, vector<16xi32>,
    }
    %scan3A_106 = arith.constant 625 : i32
    %scan3A_107 = arith.constant 0 : i32
    %scan3A_108 = arith.constant 10 : i32
    %scan3A_109 = arith.addi %scan3A_107, %scan3A_108 : i32
    %scan3A_110 = arith.constant 1 : i32
    scf.for %scan3A_130 = %scan3A_107 to %scan3A_109 step %scan3A_110  : i32 {
      %mul3A_131 = arith.constant 1 : i32
      %mul3A_132 = arith.muli %scan3A_130, %mul3A_131 : i32
      %add3A_133 = arith.constant 0 : i32
      %add3A_134 = arith.addi %add3A_133, %mul3A_132 : i32
      %mul3A_135 = arith.constant 81920 : i32
      %mul3A_136 = arith.muli %arg1, %mul3A_135 : i32
      %mul3A_137 = arith.constant 8192 : i32
      %mul3A_138 = arith.muli %add3A_134, %mul3A_137 : i32
      %add3A_139 = arith.addi %mul3A_136, %mul3A_138 : i32
      %dma_wait3A_140 = tpu.memref_slice %arg12[%add3A_139] : memref<1310720xf32, #tpu.memory_space<vmem_shared>> -> memref<8192xf32, #tpu.memory_space<vmem_shared>>
      %dma_wait3A_141 = tpu.memref_slice %arg12[%add3A_139] : memref<1310720xf32, #tpu.memory_space<vmem_shared>> -> memref<8192xf32, #tpu.memory_space<vmem_shared>>
      tpu.wait_dma2 semaphore(%arg14 : memref<!tpu.dma_semaphore, #tpu.memory_space<semaphore_mem>>) src(%arg10 : memref<8192xf32, #tpu.memory_space<vmem>>) dst(%dma_wait3A_141 : memref<8192xf32, #tpu.memory_space<vmem_shared>>)
    }
    %scan3A_111 = arith.constant 10 : i32
    %barrier3A = arith.constant 0 : index
    tpu.barrier barrier_id(%barrier3A)
    %scan3A_112 = arith.constant 0 : i32
    %scan3A_113 = arith.constant 80 : i32
    %scan3A_114 = arith.addi %scan3A_112, %scan3A_113 : i32
    %scan3A_115 = arith.constant 1 : i32
    scf.for %scan3A_130 = %scan3A_112 to %scan3A_114 step %scan3A_115  : i32 {
      %mul3A_131 = arith.constant 1 : i32
      %mul3A_132 = arith.muli %scan3A_130, %mul3A_131 : i32
      %add3A_133 = arith.constant 0 : i32
      %add3A_134 = arith.addi %add3A_133, %mul3A_132 : i32
      %dma_start3A_135 = arith.constant 0 : i32
      %dma_start3A_136 = tpu.memref_slice %arg9[%add3A_134, %dma_start3A_135] : memref<80x128xi32, #tpu.memory_space<vmem>> -> memref<1x128xi32, #tpu.memory_space<vmem>>
      %dma_start3A_137 = tpu.memref_squeeze %dma_start3A_136 : memref<1x128xi32, #tpu.memory_space<vmem>> -> memref<128xi32, #tpu.memory_space<vmem>>
      %dma_start3A_138 = arith.constant 0 : i32
      %dma_start3A_139 = tpu.memref_slice %arg12[%dma_start3A_138] : memref<1310720xf32, #tpu.memory_space<vmem_shared>> -> memref<1310720xf32, #tpu.memory_space<vmem_shared>>
      tpu.enqueue_indirect_dma source(%arg11 : memref<128xf32, #tpu.memory_space<vmem>>) target(%dma_start3A_139 : memref<1310720xf32, #tpu.memory_space<vmem_shared>>) offsets(%dma_start3A_137 : memref<128xi32, #tpu.memory_space<vmem>>) semaphore(%arg15 : memref<!tpu.dma_semaphore, #tpu.memory_space<semaphore_mem>>) {add = true}
    }
    %scan3A_116 = arith.constant 80 : i32
    %scan3A_117 = arith.constant 0 : i32
    %scan3A_118 = arith.constant 80 : i32
    %scan3A_119 = arith.addi %scan3A_117, %scan3A_118 : i32
    %scan3A_120 = arith.constant 1 : i32
    scf.for %scan3A_130 = %scan3A_117 to %scan3A_119 step %scan3A_120  : i32 {
      %mul3A_131 = arith.constant 1 : i32
      %mul3A_132 = arith.muli %scan3A_130, %mul3A_131 : i32
      %add3A_133 = arith.constant 0 : i32
      %add3A_134 = arith.addi %add3A_133, %mul3A_132 : i32
      %dma_wait3A_135 = arith.constant 0 : i32
      %dma_wait3A_136 = tpu.memref_slice %arg9[%add3A_134, %dma_wait3A_135] : memref<80x128xi32, #tpu.memory_space<vmem>> -> memref<1x128xi32, #tpu.memory_space<vmem>>
      %dma_wait3A_137 = tpu.memref_squeeze %dma_wait3A_136 : memref<1x128xi32, #tpu.memory_space<vmem>> -> memref<128xi32, #tpu.memory_space<vmem>>
      %dma_wait3A_138 = arith.constant 0 : i32
      %dma_wait3A_139 = tpu.memref_slice %arg12[%dma_wait3A_138] : memref<1310720xf32, #tpu.memory_space<vmem_shared>> -> memref<1310720xf32, #tpu.memory_space<vmem_shared>>
      tpu.wait_indirect_dma semaphore(%arg15 : memref<!tpu.dma_semaphore, #tpu.memory_space<semaphore_mem>>) src(%arg11 : memref<128xf32, #tpu.memory_space<vmem>>) dst(%dma_wait3A_139 : memref<1310720xf32, #tpu.memory_space<vmem_shared>>)
    }
    %scan3A_121 = arith.constant 80 : i32
    %barrier3A_122 = arith.constant 0 : index
    tpu.barrier barrier_id(%barrier3A_122)
    %mul3A_123 = arith.constant 80000 : i32
    %mul3A_124 = arith.muli %arg1, %mul3A_123 : i32
    %mul3A_125 = arith.constant 1280000 : i32
    %mul3A_126 = arith.muli %arg0, %mul3A_125 : i32
    %mul3A_127 = arith.constant 80000 : i32
    %mul3A_128 = arith.muli %arg1, %mul3A_127 : i32
    %add3A_129 = arith.addi %mul3A_126, %mul3A_128 : i32
    "tpu.region"() ({
      %run_scoped3A = tpu.sem_alloc : memref<!tpu.dma_semaphore, #tpu.memory_space<semaphore_mem>>
      %dma_start3A_130 = tpu.memref_slice %arg5[%add3A_129] : memref<2560000xf32, #tpu.memory_space<hbm>> -> memref<80000xf32, #tpu.memory_space<hbm>>
      %dma_start3A_131 = tpu.memref_slice %arg12[%mul3A_124] : memref<1310720xf32, #tpu.memory_space<vmem_shared>> -> memref<80000xf32, #tpu.memory_space<vmem_shared>>
      tpu.enqueue_dma source(%dma_start3A_131 : memref<80000xf32, #tpu.memory_space<vmem_shared>>) target(%dma_start3A_130 : memref<80000xf32, #tpu.memory_space<hbm>>) target_semaphore(%run_scoped3A : memref<!tpu.dma_semaphore, #tpu.memory_space<semaphore_mem>>)
      %dma_wait3A_132 = tpu.memref_slice %arg5[%add3A_129] : memref<2560000xf32, #tpu.memory_space<hbm>> -> memref<80000xf32, #tpu.memory_space<hbm>>
      %dma_wait3A_133 = tpu.memref_slice %arg12[%mul3A_124] : memref<1310720xf32, #tpu.memory_space<vmem_shared>> -> memref<80000xf32, #tpu.memory_space<vmem_shared>>
      tpu.wait_dma2 semaphore(%run_scoped3A : memref<!tpu.dma_semaphore, #tpu.memory_space<semaphore_mem>>) src(%dma_wait3A_133 : memref<80000xf32, #tpu.memory_space<vmem_shared>>) dst(%dma_wait3A_132 : memref<80000xf32, #tpu.memory_space<hbm>>)
      tpu.yield
    }) : () -> ()
    return
  }
}

module attributes {stable_mosaic.version = 14 : i64} {
  func.func @_mono_body(%arg0: i32, %arg1: memref<2000x128xf32, #tpu.memory_space<vmem>>, %arg2: memref<2000x128xf32, #tpu.memory_space<vmem>>, %arg3: memref<2000x1xi32, #tpu.memory_space<vmem>>, %arg4: memref<1x1xf32, #tpu.memory_space<vmem>>, %arg5: memref<128x128xf32, #tpu.memory_space<vmem>>, %arg6: memref<128x128xf32, #tpu.memory_space<vmem>>, %arg7: memref<1x128xf32, #tpu.memory_space<vmem>>, %arg8: memref<1x128xf32, #tpu.memory_space<vmem>>, %arg9: memref<1x128xf32, #tpu.memory_space<vmem>>, %arg10: memref<128x128xf32, #tpu.memory_space<vmem>>, %arg11: memref<1x128xf32, #tpu.memory_space<vmem>>, %arg12: memref<1x128xf32, #tpu.memory_space<vmem>>, %arg13: memref<1x128xf32, #tpu.memory_space<vmem>>, %arg14: memref<1x1x2000xi32, #tpu.memory_space<vmem>>, %arg15: memref<128x128xf32, #tpu.memory_space<vmem>>, %arg16: memref<1x128xf32, #tpu.memory_space<vmem>>, %arg17: memref<1x128xf32, #tpu.memory_space<vmem>>, %arg18: memref<1x128xf32, #tpu.memory_space<vmem>>, %arg19: memref<128x128xf32, #tpu.memory_space<vmem>>, %arg20: memref<1x128xf32, #tpu.memory_space<vmem>>, %arg21: memref<1x128xf32, #tpu.memory_space<vmem>>, %arg22: memref<1x128xf32, #tpu.memory_space<vmem>>, %arg23: memref<128x128xf32, #tpu.memory_space<vmem>>, %arg24: memref<1x128xf32, #tpu.memory_space<vmem>>, %arg25: memref<1x128xf32, #tpu.memory_space<vmem>>, %arg26: memref<1x128xf32, #tpu.memory_space<vmem>>, %arg27: memref<128x128xf32, #tpu.memory_space<vmem>>, %arg28: memref<1x128xf32, #tpu.memory_space<vmem>>, %arg29: memref<1x128xf32, #tpu.memory_space<vmem>>, %arg30: memref<1x128xf32, #tpu.memory_space<vmem>>, %arg31: memref<128x128xf32, #tpu.memory_space<vmem>>, %arg32: memref<1x1xf32, #tpu.memory_space<vmem>>, %arg33: memref<64x1xf32, #tpu.memory_space<vmem>>, %arg34: memref<10000x128xf32, #tpu.memory_space<vmem>>, %arg35: memref<10000x128xf32, #tpu.memory_space<vmem>>, %arg36: memref<8x128xf32, #tpu.memory_space<vmem>>, %arg37: memref<8x128xf32, #tpu.memory_space<vmem>>, %arg38: memref<8x128xf32, #tpu.memory_space<vmem>>, %arg39: memref<8x128xf32, #tpu.memory_space<vmem>>, %arg40: memref<64x128xf32, #tpu.memory_space<vmem>>, %arg41: memref<64x128xf32, #tpu.memory_space<vmem>>) attributes {dimension_semantics = [#tpu.dimension_semantics<arbitrary>], iteration_bounds = array<i64: 16>, scalar_prefetch = 0 : i64, scratch_operands = 8 : i64, tpu.core_type = #tpu.core_type<tc>, window_params = [{transform_indices = @transform_0, window_bounds = array<i64: 2000, 128>}, {transform_indices = @transform_1, window_bounds = array<i64: 2000, 128>}, {transform_indices = @transform_2, window_bounds = array<i64: 2000, 1>}, {pipeline_mode = #tpu.pipeline_mode<synchronous>, transform_indices = @transform_3, window_bounds = array<i64: 1, 1>}, {pipeline_mode = #tpu.pipeline_mode<synchronous>, transform_indices = @transform_4, window_bounds = array<i64: 128, 128>}, {pipeline_mode = #tpu.pipeline_mode<synchronous>, transform_indices = @transform_5, window_bounds = array<i64: 128, 128>}, {pipeline_mode = #tpu.pipeline_mode<synchronous>, transform_indices = @transform_6, window_bounds = array<i64: 1, 128>}, {pipeline_mode = #tpu.pipeline_mode<synchronous>, transform_indices = @transform_7, window_bounds = array<i64: 1, 128>}, {pipeline_mode = #tpu.pipeline_mode<synchronous>, transform_indices = @transform_8, window_bounds = array<i64: 1, 128>}, {pipeline_mode = #tpu.pipeline_mode<synchronous>, transform_indices = @transform_9, window_bounds = array<i64: 128, 128>}, {pipeline_mode = #tpu.pipeline_mode<synchronous>, transform_indices = @transform_10, window_bounds = array<i64: 1, 128>}, {pipeline_mode = #tpu.pipeline_mode<synchronous>, transform_indices = @transform_11, window_bounds = array<i64: 1, 128>}, {pipeline_mode = #tpu.pipeline_mode<synchronous>, transform_indices = @transform_12, window_bounds = array<i64: 1, 128>}, {transform_indices = @transform_13, window_bounds = array<i64: 1, 1, 2000>}, {pipeline_mode = #tpu.pipeline_mode<synchronous>, transform_indices = @transform_14, window_bounds = array<i64: 128, 128>}, {pipeline_mode = #tpu.pipeline_mode<synchronous>, transform_indices = @transform_15, window_bounds = array<i64: 1, 128>}, {pipeline_mode = #tpu.pipeline_mode<synchronous>, transform_indices = @transform_16, window_bounds = array<i64: 1, 128>}, {pipeline_mode = #tpu.pipeline_mode<synchronous>, transform_indices = @transform_17, window_bounds = array<i64: 1, 128>}, {pipeline_mode = #tpu.pipeline_mode<synchronous>, transform_indices = @transform_18, window_bounds = array<i64: 128, 128>}, {pipeline_mode = #tpu.pipeline_mode<synchronous>, transform_indices = @transform_19, window_bounds = array<i64: 1, 128>}, {pipeline_mode = #tpu.pipeline_mode<synchronous>, transform_indices = @transform_20, window_bounds = array<i64: 1, 128>}, {pipeline_mode = #tpu.pipeline_mode<synchronous>, transform_indices = @transform_21, window_bounds = array<i64: 1, 128>}, {pipeline_mode = #tpu.pipeline_mode<synchronous>, transform_indices = @transform_22, window_bounds = array<i64: 128, 128>}, {pipeline_mode = #tpu.pipeline_mode<synchronous>, transform_indices = @transform_23, window_bounds = array<i64: 1, 128>}, {pipeline_mode = #tpu.pipeline_mode<synchronous>, transform_indices = @transform_24, window_bounds = array<i64: 1, 128>}, {pipeline_mode = #tpu.pipeline_mode<synchronous>, transform_indices = @transform_25, window_bounds = array<i64: 1, 128>}, {pipeline_mode = #tpu.pipeline_mode<synchronous>, transform_indices = @transform_26, window_bounds = array<i64: 128, 128>}, {pipeline_mode = #tpu.pipeline_mode<synchronous>, transform_indices = @transform_27, window_bounds = array<i64: 1, 128>}, {pipeline_mode = #tpu.pipeline_mode<synchronous>, transform_indices = @transform_28, window_bounds = array<i64: 1, 128>}, {pipeline_mode = #tpu.pipeline_mode<synchronous>, transform_indices = @transform_29, window_bounds = array<i64: 1, 128>}, {pipeline_mode = #tpu.pipeline_mode<synchronous>, transform_indices = @transform_30, window_bounds = array<i64: 128, 128>}, {pipeline_mode = #tpu.pipeline_mode<synchronous>, transform_indices = @transform_31, window_bounds = array<i64: 1, 1>}, {pipeline_mode = #tpu.pipeline_mode<synchronous>, transform_indices = @transform_32, window_bounds = array<i64: 64, 1>}]} {
    %eq3A = arith.constant 0 : i32
    %eq3A_0 = arith.cmpi eq, %arg0, %eq3A : i32
    %convert_element_type3A = arith.extui %eq3A_0 : i1 to i32
    %cond3A = arith.constant 0 : i32
    %cond3A_1 = arith.cmpi ne, %convert_element_type3A, %cond3A : i32
    scf.if %cond3A_1 {
      %broadcast_in_dim3A = arith.constant 0.000000e+00 : f32
      %broadcast_in_dim3A_25 = vector.broadcast %broadcast_in_dim3A : f32 to vector<8x128xf32>
      %swap3A = arith.constant 0 : index
      %swap3A_26 = arith.constant 0 : index
      %swap3A_27 = vector.load %arg36[%swap3A, %swap3A_26] : memref<8x128xf32, #tpu.memory_space<vmem>>, vector<8x128xf32>
      tpu.vector_store %arg36[%swap3A, %swap3A_26], %broadcast_in_dim3A_25 {strides = array<i32>} : memref<8x128xf32, #tpu.memory_space<vmem>>, vector<8x128xf32>,
      %broadcast_in_dim3A_28 = arith.constant 0.000000e+00 : f32
      %broadcast_in_dim3A_29 = vector.broadcast %broadcast_in_dim3A_28 : f32 to vector<8x128xf32>
      %swap3A_30 = arith.constant 0 : index
      %swap3A_31 = arith.constant 0 : index
      %swap3A_32 = vector.load %arg37[%swap3A_30, %swap3A_31] : memref<8x128xf32, #tpu.memory_space<vmem>>, vector<8x128xf32>
      tpu.vector_store %arg37[%swap3A_30, %swap3A_31], %broadcast_in_dim3A_29 {strides = array<i32>} : memref<8x128xf32, #tpu.memory_space<vmem>>, vector<8x128xf32>,
      %broadcast_in_dim3A_33 = arith.constant 0.000000e+00 : f32
      %broadcast_in_dim3A_34 = vector.broadcast %broadcast_in_dim3A_33 : f32 to vector<8x128xf32>
      %swap3A_35 = arith.constant 0 : index
      %swap3A_36 = arith.constant 0 : index
      %swap3A_37 = vector.load %arg38[%swap3A_35, %swap3A_36] : memref<8x128xf32, #tpu.memory_space<vmem>>, vector<8x128xf32>
      tpu.vector_store %arg38[%swap3A_35, %swap3A_36], %broadcast_in_dim3A_34 {strides = array<i32>} : memref<8x128xf32, #tpu.memory_space<vmem>>, vector<8x128xf32>,
      %broadcast_in_dim3A_38 = arith.constant 0.000000e+00 : f32
      %broadcast_in_dim3A_39 = vector.broadcast %broadcast_in_dim3A_38 : f32 to vector<8x128xf32>
      %swap3A_40 = arith.constant 0 : index
      %swap3A_41 = arith.constant 0 : index
      %swap3A_42 = vector.load %arg39[%swap3A_40, %swap3A_41] : memref<8x128xf32, #tpu.memory_space<vmem>>, vector<8x128xf32>
      tpu.vector_store %arg39[%swap3A_40, %swap3A_41], %broadcast_in_dim3A_39 {strides = array<i32>} : memref<8x128xf32, #tpu.memory_space<vmem>>, vector<8x128xf32>,
      %broadcast_in_dim3A_43 = arith.constant 0.000000e+00 : f32
      %broadcast_in_dim3A_44 = vector.broadcast %broadcast_in_dim3A_43 : f32 to vector<64x128xf32>
      %swap3A_45 = arith.constant 0 : index
      %swap3A_46 = arith.constant 0 : index
      %swap3A_47 = vector.load %arg40[%swap3A_45, %swap3A_46] : memref<64x128xf32, #tpu.memory_space<vmem>>, vector<64x128xf32>
      tpu.vector_store %arg40[%swap3A_45, %swap3A_46], %broadcast_in_dim3A_44 {strides = array<i32>} : memref<64x128xf32, #tpu.memory_space<vmem>>, vector<64x128xf32>,
      %broadcast_in_dim3A_48 = arith.constant 0.000000e+00 : f32
      %broadcast_in_dim3A_49 = vector.broadcast %broadcast_in_dim3A_48 : f32 to vector<64x128xf32>
      %swap3A_50 = arith.constant 0 : index
      %swap3A_51 = arith.constant 0 : index
      %swap3A_52 = vector.load %arg41[%swap3A_50, %swap3A_51] : memref<64x128xf32, #tpu.memory_space<vmem>>, vector<64x128xf32>
      tpu.vector_store %arg41[%swap3A_50, %swap3A_51], %broadcast_in_dim3A_49 {strides = array<i32>} : memref<64x128xf32, #tpu.memory_space<vmem>>, vector<64x128xf32>,
    } else {
    }
    %lt3A = arith.constant 5 : i32
    %lt3A_2 = arith.cmpi slt, %arg0, %lt3A : i32
    %convert_element_type3A_3 = arith.extui %lt3A_2 : i1 to i32
    %cond3A_4 = arith.constant 0 : i32
    %cond3A_5 = arith.cmpi ne, %convert_element_type3A_3, %cond3A_4 : i32
    scf.if %cond3A_5 {
      %get3A = arith.constant 0 : index
      %get3A_25 = arith.constant 0 : index
      %get3A_26 = vector.load %arg1[%get3A, %get3A_25] : memref<2000x128xf32, #tpu.memory_space<vmem>>, vector<2000x128xf32>
      %get3A_27 = arith.constant 0 : index
      %get3A_28 = arith.constant 0 : index
      %get3A_29 = vector.load %arg2[%get3A_27, %get3A_28] : memref<2000x128xf32, #tpu.memory_space<vmem>>, vector<2000x128xf32>
      %add3A = arith.addf %get3A_26, %get3A_29 : vector<2000x128xf32>
      %iota3A = tpu.iota {dimensions = array<i32: 1>} : vector<2000x128xi32>
      %get3A_30 = arith.constant 0 : index
      %get3A_31 = arith.constant 0 : index
      %get3A_32 = vector.load %arg3[%get3A_30, %get3A_31] : memref<2000x1xi32, #tpu.memory_space<vmem>>, vector<2000x1xi32>
      %eq3A_33 = vector.broadcast %get3A_32 : vector<2000x1xi32> to vector<2000x128xi32>
      %eq3A_34 = arith.cmpi eq, %eq3A_33, %iota3A : vector<2000x128xi32>
      %get3A_35 = arith.constant 0 : index
      %get3A_36 = arith.constant 0 : index
      %get3A_37 = vector.load %arg4[%get3A_35, %get3A_36] : memref<1x1xf32, #tpu.memory_space<vmem>>, vector<1x1xf32>
      %get3A_38 = vector.extract %get3A_37[0, 0] : f32 from vector<1x1xf32>
      %add3A_39 = arith.constant 1.000000e+00 : f32
      %add3A_40 = arith.addf %add3A_39, %get3A_38 : f32
      %jit3A = arith.constant 0.000000e+00 : f32
      %broadcast_in_dim3A = vector.broadcast %add3A_40 : f32 to vector<2000x128xf32>
      %broadcast_in_dim3A_41 = vector.broadcast %jit3A : f32 to vector<2000x128xf32>
      %select_n3A = arith.select %eq3A_34, %broadcast_in_dim3A, %broadcast_in_dim3A_41 : vector<2000x128xi1>, vector<2000x128xf32>
      %add3A_42 = arith.addf %add3A, %select_n3A : vector<2000x128xf32>
      %get3A_43 = arith.constant 0 : index
      %get3A_44 = arith.constant 0 : index
      %get3A_45 = vector.load %arg5[%get3A_43, %get3A_44] : memref<128x128xf32, #tpu.memory_space<vmem>>, vector<128x128xf32>
      %dot_general3A = arith.constant dense<0.000000e+00> : vector<2000x128xf32>
      %dot_general3A_46 = tpu.matmul %add3A_42, %get3A_45, %dot_general3A {dimension_numbers = #tpu.dot_dimension_numbers<[1], [0], [0], [1], [0, 0, 1, 1], [], []>, precision = #tpu.contract_precision<fp32>, transpose_lhs_hint = false} : vector<2000x128xf32>, vector<128x128xf32>, vector<2000x128xf32> -> vector<2000x128xf32>
      %get3A_47 = arith.constant 0 : index
      %get3A_48 = arith.constant 0 : index
      %get3A_49 = vector.load %arg6[%get3A_47, %get3A_48] : memref<128x128xf32, #tpu.memory_space<vmem>>, vector<128x128xf32>
      %dot_general3A_50 = arith.constant dense<0.000000e+00> : vector<2000x128xf32>
      %dot_general3A_51 = tpu.matmul %dot_general3A_46, %get3A_49, %dot_general3A_50 {dimension_numbers = #tpu.dot_dimension_numbers<[1], [0], [0], [1], [0, 0, 1, 1], [], []>, transpose_lhs_hint = false} : vector<2000x128xf32>, vector<128x128xf32>, vector<2000x128xf32> -> vector<2000x128xf32>
      %get3A_52 = arith.constant 0 : index
      %get3A_53 = arith.constant 0 : index
      %get3A_54 = vector.load %arg7[%get3A_52, %get3A_53] : memref<1x128xf32, #tpu.memory_space<vmem>>, vector<1x128xf32>
      %add3A_55 = vector.broadcast %get3A_54 : vector<1x128xf32> to vector<2000x128xf32>
      %add3A_56 = arith.addf %dot_general3A_51, %add3A_55 : vector<2000x128xf32>
      %mul3A = arith.constant 2000 : i32
      %mul3A_57 = arith.muli %arg0, %mul3A : i32
      %swap3A = arith.index_cast %mul3A_57 : i32 to index
      %swap3A_58 = arith.constant 0 : index
      %swap3A_59 = vector.load %arg34[%swap3A, %swap3A_58] : memref<10000x128xf32, #tpu.memory_space<vmem>>, vector<2000x128xf32>
      tpu.vector_store %arg34[%swap3A, %swap3A_58], %add3A_56 {strides = array<i32>} : memref<10000x128xf32, #tpu.memory_space<vmem>>, vector<2000x128xf32>,
      %get3A_60 = arith.constant 0 : index
      %get3A_61 = arith.constant 0 : index
      %get3A_62 = vector.load %arg36[%get3A_60, %get3A_61] : memref<8x128xf32, #tpu.memory_space<vmem>>, vector<1x128xf32>
      %reduce_sum3A = arith.constant dense<0.000000e+00> : vector<128xf32>
      %reduce_sum3A_63 = vector.multi_reduction <add>, %add3A_56, %reduce_sum3A [0] : vector<2000x128xf32> to vector<128xf32>
      %broadcast_in_dim3A_64 = vector.shape_cast %reduce_sum3A_63 : vector<128xf32> to vector<1x128xf32>
      %add3A_65 = arith.addf %get3A_62, %broadcast_in_dim3A_64 : vector<1x128xf32>
      %swap3A_66 = arith.constant 0 : index
      %swap3A_67 = arith.constant 0 : index
      %swap3A_68 = vector.load %arg36[%swap3A_66, %swap3A_67] : memref<8x128xf32, #tpu.memory_space<vmem>>, vector<1x128xf32>
      tpu.vector_store %arg36[%swap3A_66, %swap3A_67], %add3A_65 {strides = array<i32>} : memref<8x128xf32, #tpu.memory_space<vmem>>, vector<1x128xf32>,
      %get3A_69 = arith.constant 0 : index
      %get3A_70 = arith.constant 0 : index
      %get3A_71 = vector.load %arg37[%get3A_69, %get3A_70] : memref<8x128xf32, #tpu.memory_space<vmem>>, vector<1x128xf32>
      %mul3A_72 = arith.mulf %add3A_56, %add3A_56 : vector<2000x128xf32>
      %reduce_sum3A_73 = arith.constant dense<0.000000e+00> : vector<128xf32>
      %reduce_sum3A_74 = vector.multi_reduction <add>, %mul3A_72, %reduce_sum3A_73 [0] : vector<2000x128xf32> to vector<128xf32>
      %broadcast_in_dim3A_75 = vector.shape_cast %reduce_sum3A_74 : vector<128xf32> to vector<1x128xf32>
      %add3A_76 = arith.addf %get3A_71, %broadcast_in_dim3A_75 : vector<1x128xf32>
      %swap3A_77 = arith.constant 0 : index
      %swap3A_78 = arith.constant 0 : index
      %swap3A_79 = vector.load %arg37[%swap3A_77, %swap3A_78] : memref<8x128xf32, #tpu.memory_space<vmem>>, vector<1x128xf32>
      tpu.vector_store %arg37[%swap3A_77, %swap3A_78], %add3A_76 {strides = array<i32>} : memref<8x128xf32, #tpu.memory_space<vmem>>, vector<1x128xf32>,
    } else {
    }
    %ge3A = arith.constant 5 : i32
    %ge3A_6 = arith.cmpi sge, %arg0, %ge3A : i32
    %lt3A_7 = arith.constant 10 : i32
    %lt3A_8 = arith.cmpi slt, %arg0, %lt3A_7 : i32
    %and3A = arith.andi %ge3A_6, %lt3A_8 : i1
    %convert_element_type3A_9 = arith.extui %and3A : i1 to i32
    %cond3A_10 = arith.constant 0 : i32
    %cond3A_11 = arith.cmpi ne, %convert_element_type3A_9, %cond3A_10 : i32
    scf.if %cond3A_11 {
      %sub3A = arith.constant 5 : i32
      %sub3A_25 = arith.subi %arg0, %sub3A : i32
      %mul3A = arith.constant 2000 : i32
      %mul3A_26 = arith.muli %sub3A_25, %mul3A : i32
      %get3A = arith.index_cast %mul3A_26 : i32 to index
      %get3A_27 = arith.constant 0 : index
      %get3A_28 = vector.load %arg34[%get3A, %get3A_27] : memref<10000x128xf32, #tpu.memory_space<vmem>>, vector<2000x128xf32>
      %get3A_29 = arith.constant 0 : index
      %get3A_30 = arith.constant 0 : index
      %get3A_31 = vector.load %arg36[%get3A_29, %get3A_30] : memref<8x128xf32, #tpu.memory_space<vmem>>, vector<1x128xf32>
      %mul3A_32 = arith.constant 9.99999974E-5 : f32
      %mul3A_33 = vector.broadcast %mul3A_32 : f32 to vector<1x128xf32>
      %mul3A_34 = arith.mulf %get3A_31, %mul3A_33 : vector<1x128xf32>
      %get3A_35 = arith.constant 0 : index
      %get3A_36 = arith.constant 0 : index
      %get3A_37 = vector.load %arg37[%get3A_35, %get3A_36] : memref<8x128xf32, #tpu.memory_space<vmem>>, vector<1x128xf32>
      %mul3A_38 = arith.constant 9.99999974E-5 : f32
      %mul3A_39 = vector.broadcast %mul3A_38 : f32 to vector<1x128xf32>
      %mul3A_40 = arith.mulf %get3A_37, %mul3A_39 : vector<1x128xf32>
      %mul3A_41 = arith.mulf %mul3A_34, %mul3A_34 : vector<1x128xf32>
      %sub3A_42 = arith.subf %mul3A_40, %mul3A_41 : vector<1x128xf32>
      %sub3A_43 = vector.broadcast %mul3A_34 : vector<1x128xf32> to vector<2000x128xf32>
      %sub3A_44 = arith.subf %get3A_28, %sub3A_43 : vector<2000x128xf32>
      %add3A = arith.constant 9.99999974E-6 : f32
      %add3A_45 = vector.broadcast %add3A : f32 to vector<1x128xf32>
      %add3A_46 = arith.addf %sub3A_42, %add3A_45 : vector<1x128xf32>
      %sqrt3A = math.sqrt %add3A_46 : vector<1x128xf32>
      %div3A = vector.broadcast %sqrt3A : vector<1x128xf32> to vector<2000x128xf32>
      %div3A_47 = arith.divf %sub3A_44, %div3A : vector<2000x128xf32>
      %get3A_48 = arith.constant 0 : index
      %get3A_49 = arith.constant 0 : index
      %get3A_50 = vector.load %arg8[%get3A_48, %get3A_49] : memref<1x128xf32, #tpu.memory_space<vmem>>, vector<1x128xf32>
      %mul3A_51 = vector.broadcast %get3A_50 : vector<1x128xf32> to vector<2000x128xf32>
      %mul3A_52 = arith.mulf %div3A_47, %mul3A_51 : vector<2000x128xf32>
      %get3A_53 = arith.constant 0 : index
      %get3A_54 = arith.constant 0 : index
      %get3A_55 = vector.load %arg9[%get3A_53, %get3A_54] : memref<1x128xf32, #tpu.memory_space<vmem>>, vector<1x128xf32>
      %add3A_56 = vector.broadcast %get3A_55 : vector<1x128xf32> to vector<2000x128xf32>
      %add3A_57 = arith.addf %mul3A_52, %add3A_56 : vector<2000x128xf32>
      %max3A = arith.constant 0.000000e+00 : f32
      %max3A_58 = vector.broadcast %max3A : f32 to vector<2000x128xf32>
      %max3A_59 = arith.maximumf %add3A_57, %max3A_58 : vector<2000x128xf32>
      %get3A_60 = arith.constant 0 : index
      %get3A_61 = arith.constant 0 : index
      %get3A_62 = vector.load %arg10[%get3A_60, %get3A_61] : memref<128x128xf32, #tpu.memory_space<vmem>>, vector<128x128xf32>
      %dot_general3A = arith.constant dense<0.000000e+00> : vector<2000x128xf32>
      %dot_general3A_63 = tpu.matmul %max3A_59, %get3A_62, %dot_general3A {dimension_numbers = #tpu.dot_dimension_numbers<[1], [0], [0], [1], [0, 0, 1, 1], [], []>, transpose_lhs_hint = false} : vector<2000x128xf32>, vector<128x128xf32>, vector<2000x128xf32> -> vector<2000x128xf32>
      %get3A_64 = arith.constant 0 : index
      %get3A_65 = arith.constant 0 : index
      %get3A_66 = vector.load %arg11[%get3A_64, %get3A_65] : memref<1x128xf32, #tpu.memory_space<vmem>>, vector<1x128xf32>
      %add3A_67 = vector.broadcast %get3A_66 : vector<1x128xf32> to vector<2000x128xf32>
      %add3A_68 = arith.addf %dot_general3A_63, %add3A_67 : vector<2000x128xf32>
      %mul3A_69 = arith.constant 2000 : i32
      %mul3A_70 = arith.muli %sub3A_25, %mul3A_69 : i32
      %swap3A = arith.index_cast %mul3A_70 : i32 to index
      %swap3A_71 = arith.constant 0 : index
      %swap3A_72 = vector.load %arg35[%swap3A, %swap3A_71] : memref<10000x128xf32, #tpu.memory_space<vmem>>, vector<2000x128xf32>
      tpu.vector_store %arg35[%swap3A, %swap3A_71], %add3A_68 {strides = array<i32>} : memref<10000x128xf32, #tpu.memory_space<vmem>>, vector<2000x128xf32>,
      %get3A_73 = arith.constant 0 : index
      %get3A_74 = arith.constant 0 : index
      %get3A_75 = vector.load %arg38[%get3A_73, %get3A_74] : memref<8x128xf32, #tpu.memory_space<vmem>>, vector<1x128xf32>
      %reduce_sum3A = arith.constant dense<0.000000e+00> : vector<128xf32>
      %reduce_sum3A_76 = vector.multi_reduction <add>, %add3A_68, %reduce_sum3A [0] : vector<2000x128xf32> to vector<128xf32>
      %broadcast_in_dim3A = vector.shape_cast %reduce_sum3A_76 : vector<128xf32> to vector<1x128xf32>
      %add3A_77 = arith.addf %get3A_75, %broadcast_in_dim3A : vector<1x128xf32>
      %swap3A_78 = arith.constant 0 : index
      %swap3A_79 = arith.constant 0 : index
      %swap3A_80 = vector.load %arg38[%swap3A_78, %swap3A_79] : memref<8x128xf32, #tpu.memory_space<vmem>>, vector<1x128xf32>
      tpu.vector_store %arg38[%swap3A_78, %swap3A_79], %add3A_77 {strides = array<i32>} : memref<8x128xf32, #tpu.memory_space<vmem>>, vector<1x128xf32>,
      %get3A_81 = arith.constant 0 : index
      %get3A_82 = arith.constant 0 : index
      %get3A_83 = vector.load %arg39[%get3A_81, %get3A_82] : memref<8x128xf32, #tpu.memory_space<vmem>>, vector<1x128xf32>
      %mul3A_84 = arith.mulf %add3A_68, %add3A_68 : vector<2000x128xf32>
      %reduce_sum3A_85 = arith.constant dense<0.000000e+00> : vector<128xf32>
      %reduce_sum3A_86 = vector.multi_reduction <add>, %mul3A_84, %reduce_sum3A_85 [0] : vector<2000x128xf32> to vector<128xf32>
      %broadcast_in_dim3A_87 = vector.shape_cast %reduce_sum3A_86 : vector<128xf32> to vector<1x128xf32>
      %add3A_88 = arith.addf %get3A_83, %broadcast_in_dim3A_87 : vector<1x128xf32>
      %swap3A_89 = arith.constant 0 : index
      %swap3A_90 = arith.constant 0 : index
      %swap3A_91 = vector.load %arg39[%swap3A_89, %swap3A_90] : memref<8x128xf32, #tpu.memory_space<vmem>>, vector<1x128xf32>
      tpu.vector_store %arg39[%swap3A_89, %swap3A_90], %add3A_88 {strides = array<i32>} : memref<8x128xf32, #tpu.memory_space<vmem>>, vector<1x128xf32>,
    } else {
    }
    %ge3A_12 = arith.constant 10 : i32
    %ge3A_13 = arith.cmpi sge, %arg0, %ge3A_12 : i32
    %lt3A_14 = arith.constant 15 : i32
    %lt3A_15 = arith.cmpi slt, %arg0, %lt3A_14 : i32
    %and3A_16 = arith.andi %ge3A_13, %lt3A_15 : i1
    %convert_element_type3A_17 = arith.extui %and3A_16 : i1 to i32
    %cond3A_18 = arith.constant 0 : i32
    %cond3A_19 = arith.cmpi ne, %convert_element_type3A_17, %cond3A_18 : i32
    scf.if %cond3A_19 {
      %sub3A = arith.constant 10 : i32
      %sub3A_25 = arith.subi %arg0, %sub3A : i32
      %mul3A = arith.constant 2000 : i32
      %mul3A_26 = arith.muli %sub3A_25, %mul3A : i32
      %get3A = arith.index_cast %mul3A_26 : i32 to index
      %get3A_27 = arith.constant 0 : index
      %get3A_28 = vector.load %arg35[%get3A, %get3A_27] : memref<10000x128xf32, #tpu.memory_space<vmem>>, vector<2000x128xf32>
      %get3A_29 = arith.constant 0 : index
      %get3A_30 = arith.constant 0 : index
      %get3A_31 = vector.load %arg38[%get3A_29, %get3A_30] : memref<8x128xf32, #tpu.memory_space<vmem>>, vector<1x128xf32>
      %mul3A_32 = arith.constant 9.99999974E-5 : f32
      %mul3A_33 = vector.broadcast %mul3A_32 : f32 to vector<1x128xf32>
      %mul3A_34 = arith.mulf %get3A_31, %mul3A_33 : vector<1x128xf32>
      %get3A_35 = arith.constant 0 : index
      %get3A_36 = arith.constant 0 : index
      %get3A_37 = vector.load %arg39[%get3A_35, %get3A_36] : memref<8x128xf32, #tpu.memory_space<vmem>>, vector<1x128xf32>
      %mul3A_38 = arith.constant 9.99999974E-5 : f32
      %mul3A_39 = vector.broadcast %mul3A_38 : f32 to vector<1x128xf32>
      %mul3A_40 = arith.mulf %get3A_37, %mul3A_39 : vector<1x128xf32>
      %mul3A_41 = arith.mulf %mul3A_34, %mul3A_34 : vector<1x128xf32>
      %sub3A_42 = arith.subf %mul3A_40, %mul3A_41 : vector<1x128xf32>
      %sub3A_43 = vector.broadcast %mul3A_34 : vector<1x128xf32> to vector<2000x128xf32>
      %sub3A_44 = arith.subf %get3A_28, %sub3A_43 : vector<2000x128xf32>
      %add3A = arith.constant 9.99999974E-6 : f32
      %add3A_45 = vector.broadcast %add3A : f32 to vector<1x128xf32>
      %add3A_46 = arith.addf %sub3A_42, %add3A_45 : vector<1x128xf32>
      %sqrt3A = math.sqrt %add3A_46 : vector<1x128xf32>
      %div3A = vector.broadcast %sqrt3A : vector<1x128xf32> to vector<2000x128xf32>
      %div3A_47 = arith.divf %sub3A_44, %div3A : vector<2000x128xf32>
      %get3A_48 = arith.constant 0 : index
      %get3A_49 = arith.constant 0 : index
      %get3A_50 = vector.load %arg12[%get3A_48, %get3A_49] : memref<1x128xf32, #tpu.memory_space<vmem>>, vector<1x128xf32>
      %mul3A_51 = vector.broadcast %get3A_50 : vector<1x128xf32> to vector<2000x128xf32>
      %mul3A_52 = arith.mulf %div3A_47, %mul3A_51 : vector<2000x128xf32>
      %get3A_53 = arith.constant 0 : index
      %get3A_54 = arith.constant 0 : index
      %get3A_55 = vector.load %arg13[%get3A_53, %get3A_54] : memref<1x128xf32, #tpu.memory_space<vmem>>, vector<1x128xf32>
      %add3A_56 = vector.broadcast %get3A_55 : vector<1x128xf32> to vector<2000x128xf32>
      %add3A_57 = arith.addf %mul3A_52, %add3A_56 : vector<2000x128xf32>
      %max3A = arith.constant 0.000000e+00 : f32
      %max3A_58 = vector.broadcast %max3A : f32 to vector<2000x128xf32>
      %max3A_59 = arith.maximumf %add3A_57, %max3A_58 : vector<2000x128xf32>
      %get3A_60 = arith.constant 0 : index
      %get3A_61 = arith.constant 0 : index
      %get3A_62 = arith.constant 0 : index
      %get3A_63 = vector.load %arg14[%get3A_60, %get3A_61, %get3A_62] : memref<1x1x2000xi32, #tpu.memory_space<vmem>>, vector<1x1x2000xi32>
      %get3A_64 = vector.shape_cast %get3A_63 : vector<1x1x2000xi32> to vector<1x2000xi32>
      %iota3A = tpu.iota {dimensions = array<i32: 0>} : vector<64x2000xi32>
      %eq3A_65 = vector.broadcast %get3A_64 : vector<1x2000xi32> to vector<64x2000xi32>
      %eq3A_66 = arith.cmpi eq, %iota3A, %eq3A_65 : vector<64x2000xi32>
      %jit3A = arith.constant 1.000000e+00 : f32
      %jit3A_67 = arith.constant 0.000000e+00 : f32
      %broadcast_in_dim3A = vector.broadcast %jit3A : f32 to vector<64x2000xf32>
      %broadcast_in_dim3A_68 = vector.broadcast %jit3A_67 : f32 to vector<64x2000xf32>
      %select_n3A = arith.select %eq3A_66, %broadcast_in_dim3A, %broadcast_in_dim3A_68 : vector<64x2000xi1>, vector<64x2000xf32>
      %convert_element_type3A_69 = arith.truncf %select_n3A : vector<64x2000xf32> to vector<64x2000xbf16>
      %convert_element_type3A_70 = arith.truncf %max3A_59 : vector<2000x128xf32> to vector<2000x128xbf16>
      %convert_element_type3A_71 = arith.extf %convert_element_type3A_70 : vector<2000x128xbf16> to vector<2000x128xf32>
      %sub3A_72 = arith.subf %max3A_59, %convert_element_type3A_71 : vector<2000x128xf32>
      %convert_element_type3A_73 = arith.truncf %sub3A_72 : vector<2000x128xf32> to vector<2000x128xbf16>
      %convert_element_type3A_74 = arith.extf %convert_element_type3A_73 : vector<2000x128xbf16> to vector<2000x128xf32>
      %sub3A_75 = arith.subf %sub3A_72, %convert_element_type3A_74 : vector<2000x128xf32>
      %convert_element_type3A_76 = arith.truncf %sub3A_75 : vector<2000x128xf32> to vector<2000x128xbf16>
      %dot_general3A = arith.constant dense<0.000000e+00> : vector<64x128xf32>
      %dot_general3A_77 = tpu.matmul %convert_element_type3A_69, %convert_element_type3A_70, %dot_general3A {dimension_numbers = #tpu.dot_dimension_numbers<[1], [0], [0], [1], [0, 0, 1, 1], [], []>, transpose_lhs_hint = false} : vector<64x2000xbf16>, vector<2000x128xbf16>, vector<64x128xf32> -> vector<64x128xf32>
      %dot_general3A_78 = arith.constant dense<0.000000e+00> : vector<64x128xf32>
      %dot_general3A_79 = tpu.matmul %convert_element_type3A_69, %convert_element_type3A_73, %dot_general3A_78 {dimension_numbers = #tpu.dot_dimension_numbers<[1], [0], [0], [1], [0, 0, 1, 1], [], []>, transpose_lhs_hint = false} : vector<64x2000xbf16>, vector<2000x128xbf16>, vector<64x128xf32> -> vector<64x128xf32>
      %add3A_80 = arith.addf %dot_general3A_77, %dot_general3A_79 : vector<64x128xf32>
      %dot_general3A_81 = arith.constant dense<0.000000e+00> : vector<64x128xf32>
      %dot_general3A_82 = tpu.matmul %convert_element_type3A_69, %convert_element_type3A_76, %dot_general3A_81 {dimension_numbers = #tpu.dot_dimension_numbers<[1], [0], [0], [1], [0, 0, 1, 1], [], []>, transpose_lhs_hint = false} : vector<64x2000xbf16>, vector<2000x128xbf16>, vector<64x128xf32> -> vector<64x128xf32>
      %add3A_83 = arith.addf %add3A_80, %dot_general3A_82 : vector<64x128xf32>
      %get3A_84 = arith.constant 0 : index
      %get3A_85 = arith.constant 0 : index
      %get3A_86 = vector.load %arg40[%get3A_84, %get3A_85] : memref<64x128xf32, #tpu.memory_space<vmem>>, vector<64x128xf32>
      %add3A_87 = arith.addf %get3A_86, %add3A_83 : vector<64x128xf32>
      %swap3A = arith.constant 0 : index
      %swap3A_88 = arith.constant 0 : index
      %swap3A_89 = vector.load %arg40[%swap3A, %swap3A_88] : memref<64x128xf32, #tpu.memory_space<vmem>>, vector<64x128xf32>
      tpu.vector_store %arg40[%swap3A, %swap3A_88], %add3A_87 {strides = array<i32>} : memref<64x128xf32, #tpu.memory_space<vmem>>, vector<64x128xf32>,
      %get3A_90 = arith.constant 0 : index
      %get3A_91 = arith.constant 0 : index
      %get3A_92 = vector.load %arg41[%get3A_90, %get3A_91] : memref<64x128xf32, #tpu.memory_space<vmem>>, vector<64x1xf32>
      %reduce_sum3A = arith.constant dense<0.000000e+00> : vector<64xf32>
      %reduce_sum3A_93 = vector.multi_reduction <add>, %select_n3A, %reduce_sum3A [1] : vector<64x2000xf32> to vector<64xf32>
      %broadcast_in_dim3A_94 = vector.shape_cast %reduce_sum3A_93 : vector<64xf32> to vector<64x1xf32>
      %add3A_95 = arith.addf %get3A_92, %broadcast_in_dim3A_94 : vector<64x1xf32>
      %swap3A_96 = arith.constant 0 : index
      %swap3A_97 = arith.constant 0 : index
      %swap3A_98 = vector.load %arg41[%swap3A_96, %swap3A_97] : memref<64x128xf32, #tpu.memory_space<vmem>>, vector<64x1xf32>
      tpu.vector_store %arg41[%swap3A_96, %swap3A_97], %add3A_95 {strides = array<i32>} : memref<64x128xf32, #tpu.memory_space<vmem>>, vector<64x1xf32>,
    } else {
    }
    %eq3A_20 = arith.constant 15 : i32
    %eq3A_21 = arith.cmpi eq, %arg0, %eq3A_20 : i32
    %convert_element_type3A_22 = arith.extui %eq3A_21 : i1 to i32
    %cond3A_23 = arith.constant 0 : i32
    %cond3A_24 = arith.cmpi ne, %convert_element_type3A_22, %cond3A_23 : i32
    scf.if %cond3A_24 {
      %get3A = arith.constant 0 : index
      %get3A_25 = arith.constant 0 : index
      %get3A_26 = vector.load %arg41[%get3A, %get3A_25] : memref<64x128xf32, #tpu.memory_space<vmem>>, vector<64x1xf32>
      %max3A = arith.constant 1.000000e+00 : f32
      %max3A_27 = vector.broadcast %max3A : f32 to vector<64x1xf32>
      %max3A_28 = arith.maximumf %get3A_26, %max3A_27 : vector<64x1xf32>
      %get3A_29 = arith.constant 0 : index
      %get3A_30 = arith.constant 0 : index
      %get3A_31 = vector.load %arg40[%get3A_29, %get3A_30] : memref<64x128xf32, #tpu.memory_space<vmem>>, vector<64x128xf32>
      %div3A = vector.broadcast %max3A_28 : vector<64x1xf32> to vector<64x128xf32>
      %div3A_32 = arith.divf %get3A_31, %div3A : vector<64x128xf32>
      %get3A_33 = arith.constant 0 : index
      %get3A_34 = arith.constant 0 : index
      %get3A_35 = vector.load %arg15[%get3A_33, %get3A_34] : memref<128x128xf32, #tpu.memory_space<vmem>>, vector<128x128xf32>
      %dot_general3A = arith.constant dense<0.000000e+00> : vector<64x128xf32>
      %dot_general3A_36 = tpu.matmul %div3A_32, %get3A_35, %dot_general3A {dimension_numbers = #tpu.dot_dimension_numbers<[1], [0], [0], [1], [0, 0, 1, 1], [], []>, transpose_lhs_hint = false} : vector<64x128xf32>, vector<128x128xf32>, vector<64x128xf32> -> vector<64x128xf32>
      %get3A_37 = arith.constant 0 : index
      %get3A_38 = arith.constant 0 : index
      %get3A_39 = vector.load %arg16[%get3A_37, %get3A_38] : memref<1x128xf32, #tpu.memory_space<vmem>>, vector<1x128xf32>
      %add3A = vector.broadcast %get3A_39 : vector<1x128xf32> to vector<64x128xf32>
      %add3A_40 = arith.addf %dot_general3A_36, %add3A : vector<64x128xf32>
      %get3A_41 = arith.constant 0 : index
      %get3A_42 = arith.constant 0 : index
      %get3A_43 = vector.load %arg17[%get3A_41, %get3A_42] : memref<1x128xf32, #tpu.memory_space<vmem>>, vector<1x128xf32>
      %get3A_44 = arith.constant 0 : index
      %get3A_45 = arith.constant 0 : index
      %get3A_46 = vector.load %arg18[%get3A_44, %get3A_45] : memref<1x128xf32, #tpu.memory_space<vmem>>, vector<1x128xf32>
      %reduce_sum3A = arith.constant dense<0.000000e+00> : vector<128xf32>
      %reduce_sum3A_47 = vector.multi_reduction <add>, %add3A_40, %reduce_sum3A [0] : vector<64x128xf32> to vector<128xf32>
      %broadcast_in_dim3A = vector.shape_cast %reduce_sum3A_47 : vector<128xf32> to vector<1x128xf32>
      %div3A_48 = arith.constant 6.400000e+01 : f32
      %div3A_49 = vector.broadcast %div3A_48 : f32 to vector<1x128xf32>
      %div3A_50 = arith.divf %broadcast_in_dim3A, %div3A_49 : vector<1x128xf32>
      %sub3A = vector.broadcast %div3A_50 : vector<1x128xf32> to vector<64x128xf32>
      %sub3A_51 = arith.subf %add3A_40, %sub3A : vector<64x128xf32>
      %sub3A_52 = vector.broadcast %div3A_50 : vector<1x128xf32> to vector<64x128xf32>
      %sub3A_53 = arith.subf %add3A_40, %sub3A_52 : vector<64x128xf32>
      %mul3A = arith.mulf %sub3A_51, %sub3A_53 : vector<64x128xf32>
      %reduce_sum3A_54 = arith.constant dense<0.000000e+00> : vector<128xf32>
      %reduce_sum3A_55 = vector.multi_reduction <add>, %mul3A, %reduce_sum3A_54 [0] : vector<64x128xf32> to vector<128xf32>
      %broadcast_in_dim3A_56 = vector.shape_cast %reduce_sum3A_55 : vector<128xf32> to vector<1x128xf32>
      %div3A_57 = arith.constant 6.400000e+01 : f32
      %div3A_58 = vector.broadcast %div3A_57 : f32 to vector<1x128xf32>
      %div3A_59 = arith.divf %broadcast_in_dim3A_56, %div3A_58 : vector<1x128xf32>
      %sub3A_60 = vector.broadcast %div3A_50 : vector<1x128xf32> to vector<64x128xf32>
      %sub3A_61 = arith.subf %add3A_40, %sub3A_60 : vector<64x128xf32>
      %add3A_62 = arith.constant 9.99999974E-6 : f32
      %add3A_63 = vector.broadcast %add3A_62 : f32 to vector<1x128xf32>
      %add3A_64 = arith.addf %div3A_59, %add3A_63 : vector<1x128xf32>
      %sqrt3A = math.sqrt %add3A_64 : vector<1x128xf32>
      %div3A_65 = vector.broadcast %sqrt3A : vector<1x128xf32> to vector<64x128xf32>
      %div3A_66 = arith.divf %sub3A_61, %div3A_65 : vector<64x128xf32>
      %mul3A_67 = vector.broadcast %get3A_43 : vector<1x128xf32> to vector<64x128xf32>
      %mul3A_68 = arith.mulf %div3A_66, %mul3A_67 : vector<64x128xf32>
      %add3A_69 = vector.broadcast %get3A_46 : vector<1x128xf32> to vector<64x128xf32>
      %add3A_70 = arith.addf %mul3A_68, %add3A_69 : vector<64x128xf32>
      %max3A_71 = arith.constant 0.000000e+00 : f32
      %max3A_72 = vector.broadcast %max3A_71 : f32 to vector<64x128xf32>
      %max3A_73 = arith.maximumf %add3A_70, %max3A_72 : vector<64x128xf32>
      %get3A_74 = arith.constant 0 : index
      %get3A_75 = arith.constant 0 : index
      %get3A_76 = vector.load %arg19[%get3A_74, %get3A_75] : memref<128x128xf32, #tpu.memory_space<vmem>>, vector<128x128xf32>
      %dot_general3A_77 = arith.constant dense<0.000000e+00> : vector<64x128xf32>
      %dot_general3A_78 = tpu.matmul %max3A_73, %get3A_76, %dot_general3A_77 {dimension_numbers = #tpu.dot_dimension_numbers<[1], [0], [0], [1], [0, 0, 1, 1], [], []>, transpose_lhs_hint = false} : vector<64x128xf32>, vector<128x128xf32>, vector<64x128xf32> -> vector<64x128xf32>
      %get3A_79 = arith.constant 0 : index
      %get3A_80 = arith.constant 0 : index
      %get3A_81 = vector.load %arg20[%get3A_79, %get3A_80] : memref<1x128xf32, #tpu.memory_space<vmem>>, vector<1x128xf32>
      %add3A_82 = vector.broadcast %get3A_81 : vector<1x128xf32> to vector<64x128xf32>
      %add3A_83 = arith.addf %dot_general3A_78, %add3A_82 : vector<64x128xf32>
      %get3A_84 = arith.constant 0 : index
      %get3A_85 = arith.constant 0 : index
      %get3A_86 = vector.load %arg21[%get3A_84, %get3A_85] : memref<1x128xf32, #tpu.memory_space<vmem>>, vector<1x128xf32>
      %get3A_87 = arith.constant 0 : index
      %get3A_88 = arith.constant 0 : index
      %get3A_89 = vector.load %arg22[%get3A_87, %get3A_88] : memref<1x128xf32, #tpu.memory_space<vmem>>, vector<1x128xf32>
      %reduce_sum3A_90 = arith.constant dense<0.000000e+00> : vector<128xf32>
      %reduce_sum3A_91 = vector.multi_reduction <add>, %add3A_83, %reduce_sum3A_90 [0] : vector<64x128xf32> to vector<128xf32>
      %broadcast_in_dim3A_92 = vector.shape_cast %reduce_sum3A_91 : vector<128xf32> to vector<1x128xf32>
      %div3A_93 = arith.constant 6.400000e+01 : f32
      %div3A_94 = vector.broadcast %div3A_93 : f32 to vector<1x128xf32>
      %div3A_95 = arith.divf %broadcast_in_dim3A_92, %div3A_94 : vector<1x128xf32>
      %sub3A_96 = vector.broadcast %div3A_95 : vector<1x128xf32> to vector<64x128xf32>
      %sub3A_97 = arith.subf %add3A_83, %sub3A_96 : vector<64x128xf32>
      %sub3A_98 = vector.broadcast %div3A_95 : vector<1x128xf32> to vector<64x128xf32>
      %sub3A_99 = arith.subf %add3A_83, %sub3A_98 : vector<64x128xf32>
      %mul3A_100 = arith.mulf %sub3A_97, %sub3A_99 : vector<64x128xf32>
      %reduce_sum3A_101 = arith.constant dense<0.000000e+00> : vector<128xf32>
      %reduce_sum3A_102 = vector.multi_reduction <add>, %mul3A_100, %reduce_sum3A_101 [0] : vector<64x128xf32> to vector<128xf32>
      %broadcast_in_dim3A_103 = vector.shape_cast %reduce_sum3A_102 : vector<128xf32> to vector<1x128xf32>
      %div3A_104 = arith.constant 6.400000e+01 : f32
      %div3A_105 = vector.broadcast %div3A_104 : f32 to vector<1x128xf32>
      %div3A_106 = arith.divf %broadcast_in_dim3A_103, %div3A_105 : vector<1x128xf32>
      %sub3A_107 = vector.broadcast %div3A_95 : vector<1x128xf32> to vector<64x128xf32>
      %sub3A_108 = arith.subf %add3A_83, %sub3A_107 : vector<64x128xf32>
      %add3A_109 = arith.constant 9.99999974E-6 : f32
      %add3A_110 = vector.broadcast %add3A_109 : f32 to vector<1x128xf32>
      %add3A_111 = arith.addf %div3A_106, %add3A_110 : vector<1x128xf32>
      %sqrt3A_112 = math.sqrt %add3A_111 : vector<1x128xf32>
      %div3A_113 = vector.broadcast %sqrt3A_112 : vector<1x128xf32> to vector<64x128xf32>
      %div3A_114 = arith.divf %sub3A_108, %div3A_113 : vector<64x128xf32>
      %mul3A_115 = vector.broadcast %get3A_86 : vector<1x128xf32> to vector<64x128xf32>
      %mul3A_116 = arith.mulf %div3A_114, %mul3A_115 : vector<64x128xf32>
      %add3A_117 = vector.broadcast %get3A_89 : vector<1x128xf32> to vector<64x128xf32>
      %add3A_118 = arith.addf %mul3A_116, %add3A_117 : vector<64x128xf32>
      %max3A_119 = arith.constant 0.000000e+00 : f32
      %max3A_120 = vector.broadcast %max3A_119 : f32 to vector<64x128xf32>
      %max3A_121 = arith.maximumf %add3A_118, %max3A_120 : vector<64x128xf32>
      %get3A_122 = arith.constant 0 : index
      %get3A_123 = arith.constant 0 : index
      %get3A_124 = vector.load %arg23[%get3A_122, %get3A_123] : memref<128x128xf32, #tpu.memory_space<vmem>>, vector<128x128xf32>
      %dot_general3A_125 = arith.constant dense<0.000000e+00> : vector<64x128xf32>
      %dot_general3A_126 = tpu.matmul %max3A_121, %get3A_124, %dot_general3A_125 {dimension_numbers = #tpu.dot_dimension_numbers<[1], [0], [0], [1], [0, 0, 1, 1], [], []>, transpose_lhs_hint = false} : vector<64x128xf32>, vector<128x128xf32>, vector<64x128xf32> -> vector<64x128xf32>
      %get3A_127 = arith.constant 0 : index
      %get3A_128 = arith.constant 0 : index
      %get3A_129 = vector.load %arg24[%get3A_127, %get3A_128] : memref<1x128xf32, #tpu.memory_space<vmem>>, vector<1x128xf32>
      %add3A_130 = vector.broadcast %get3A_129 : vector<1x128xf32> to vector<64x128xf32>
      %add3A_131 = arith.addf %dot_general3A_126, %add3A_130 : vector<64x128xf32>
      %get3A_132 = arith.constant 0 : index
      %get3A_133 = arith.constant 0 : index
      %get3A_134 = vector.load %arg25[%get3A_132, %get3A_133] : memref<1x128xf32, #tpu.memory_space<vmem>>, vector<1x128xf32>
      %get3A_135 = arith.constant 0 : index
      %get3A_136 = arith.constant 0 : index
      %get3A_137 = vector.load %arg26[%get3A_135, %get3A_136] : memref<1x128xf32, #tpu.memory_space<vmem>>, vector<1x128xf32>
      %reduce_sum3A_138 = arith.constant dense<0.000000e+00> : vector<128xf32>
      %reduce_sum3A_139 = vector.multi_reduction <add>, %add3A_131, %reduce_sum3A_138 [0] : vector<64x128xf32> to vector<128xf32>
      %broadcast_in_dim3A_140 = vector.shape_cast %reduce_sum3A_139 : vector<128xf32> to vector<1x128xf32>
      %div3A_141 = arith.constant 6.400000e+01 : f32
      %div3A_142 = vector.broadcast %div3A_141 : f32 to vector<1x128xf32>
      %div3A_143 = arith.divf %broadcast_in_dim3A_140, %div3A_142 : vector<1x128xf32>
      %sub3A_144 = vector.broadcast %div3A_143 : vector<1x128xf32> to vector<64x128xf32>
      %sub3A_145 = arith.subf %add3A_131, %sub3A_144 : vector<64x128xf32>
      %sub3A_146 = vector.broadcast %div3A_143 : vector<1x128xf32> to vector<64x128xf32>
      %sub3A_147 = arith.subf %add3A_131, %sub3A_146 : vector<64x128xf32>
      %mul3A_148 = arith.mulf %sub3A_145, %sub3A_147 : vector<64x128xf32>
      %reduce_sum3A_149 = arith.constant dense<0.000000e+00> : vector<128xf32>
      %reduce_sum3A_150 = vector.multi_reduction <add>, %mul3A_148, %reduce_sum3A_149 [0] : vector<64x128xf32> to vector<128xf32>
      %broadcast_in_dim3A_151 = vector.shape_cast %reduce_sum3A_150 : vector<128xf32> to vector<1x128xf32>
      %div3A_152 = arith.constant 6.400000e+01 : f32
      %div3A_153 = vector.broadcast %div3A_152 : f32 to vector<1x128xf32>
      %div3A_154 = arith.divf %broadcast_in_dim3A_151, %div3A_153 : vector<1x128xf32>
      %sub3A_155 = vector.broadcast %div3A_143 : vector<1x128xf32> to vector<64x128xf32>
      %sub3A_156 = arith.subf %add3A_131, %sub3A_155 : vector<64x128xf32>
      %add3A_157 = arith.constant 9.99999974E-6 : f32
      %add3A_158 = vector.broadcast %add3A_157 : f32 to vector<1x128xf32>
      %add3A_159 = arith.addf %div3A_154, %add3A_158 : vector<1x128xf32>
      %sqrt3A_160 = math.sqrt %add3A_159 : vector<1x128xf32>
      %div3A_161 = vector.broadcast %sqrt3A_160 : vector<1x128xf32> to vector<64x128xf32>
      %div3A_162 = arith.divf %sub3A_156, %div3A_161 : vector<64x128xf32>
      %mul3A_163 = vector.broadcast %get3A_134 : vector<1x128xf32> to vector<64x128xf32>
      %mul3A_164 = arith.mulf %div3A_162, %mul3A_163 : vector<64x128xf32>
      %add3A_165 = vector.broadcast %get3A_137 : vector<1x128xf32> to vector<64x128xf32>
      %add3A_166 = arith.addf %mul3A_164, %add3A_165 : vector<64x128xf32>
      %max3A_167 = arith.constant 0.000000e+00 : f32
      %max3A_168 = vector.broadcast %max3A_167 : f32 to vector<64x128xf32>
      %max3A_169 = arith.maximumf %add3A_166, %max3A_168 : vector<64x128xf32>
      %get3A_170 = arith.constant 0 : index
      %get3A_171 = arith.constant 0 : index
      %get3A_172 = vector.load %arg27[%get3A_170, %get3A_171] : memref<128x128xf32, #tpu.memory_space<vmem>>, vector<128x128xf32>
      %dot_general3A_173 = arith.constant dense<0.000000e+00> : vector<64x128xf32>
      %dot_general3A_174 = tpu.matmul %max3A_169, %get3A_172, %dot_general3A_173 {dimension_numbers = #tpu.dot_dimension_numbers<[1], [0], [0], [1], [0, 0, 1, 1], [], []>, transpose_lhs_hint = false} : vector<64x128xf32>, vector<128x128xf32>, vector<64x128xf32> -> vector<64x128xf32>
      %get3A_175 = arith.constant 0 : index
      %get3A_176 = arith.constant 0 : index
      %get3A_177 = vector.load %arg28[%get3A_175, %get3A_176] : memref<1x128xf32, #tpu.memory_space<vmem>>, vector<1x128xf32>
      %add3A_178 = vector.broadcast %get3A_177 : vector<1x128xf32> to vector<64x128xf32>
      %add3A_179 = arith.addf %dot_general3A_174, %add3A_178 : vector<64x128xf32>
      %get3A_180 = arith.constant 0 : index
      %get3A_181 = arith.constant 0 : index
      %get3A_182 = vector.load %arg29[%get3A_180, %get3A_181] : memref<1x128xf32, #tpu.memory_space<vmem>>, vector<1x128xf32>
      %get3A_183 = arith.constant 0 : index
      %get3A_184 = arith.constant 0 : index
      %get3A_185 = vector.load %arg30[%get3A_183, %get3A_184] : memref<1x128xf32, #tpu.memory_space<vmem>>, vector<1x128xf32>
      %reduce_sum3A_186 = arith.constant dense<0.000000e+00> : vector<128xf32>
      %reduce_sum3A_187 = vector.multi_reduction <add>, %add3A_179, %reduce_sum3A_186 [0] : vector<64x128xf32> to vector<128xf32>
      %broadcast_in_dim3A_188 = vector.shape_cast %reduce_sum3A_187 : vector<128xf32> to vector<1x128xf32>
      %div3A_189 = arith.constant 6.400000e+01 : f32
      %div3A_190 = vector.broadcast %div3A_189 : f32 to vector<1x128xf32>
      %div3A_191 = arith.divf %broadcast_in_dim3A_188, %div3A_190 : vector<1x128xf32>
      %sub3A_192 = vector.broadcast %div3A_191 : vector<1x128xf32> to vector<64x128xf32>
      %sub3A_193 = arith.subf %add3A_179, %sub3A_192 : vector<64x128xf32>
      %sub3A_194 = vector.broadcast %div3A_191 : vector<1x128xf32> to vector<64x128xf32>
      %sub3A_195 = arith.subf %add3A_179, %sub3A_194 : vector<64x128xf32>
      %mul3A_196 = arith.mulf %sub3A_193, %sub3A_195 : vector<64x128xf32>
      %reduce_sum3A_197 = arith.constant dense<0.000000e+00> : vector<128xf32>
      %reduce_sum3A_198 = vector.multi_reduction <add>, %mul3A_196, %reduce_sum3A_197 [0] : vector<64x128xf32> to vector<128xf32>
      %broadcast_in_dim3A_199 = vector.shape_cast %reduce_sum3A_198 : vector<128xf32> to vector<1x128xf32>
      %div3A_200 = arith.constant 6.400000e+01 : f32
      %div3A_201 = vector.broadcast %div3A_200 : f32 to vector<1x128xf32>
      %div3A_202 = arith.divf %broadcast_in_dim3A_199, %div3A_201 : vector<1x128xf32>
      %sub3A_203 = vector.broadcast %div3A_191 : vector<1x128xf32> to vector<64x128xf32>
      %sub3A_204 = arith.subf %add3A_179, %sub3A_203 : vector<64x128xf32>
      %add3A_205 = arith.constant 9.99999974E-6 : f32
      %add3A_206 = vector.broadcast %add3A_205 : f32 to vector<1x128xf32>
      %add3A_207 = arith.addf %div3A_202, %add3A_206 : vector<1x128xf32>
      %sqrt3A_208 = math.sqrt %add3A_207 : vector<1x128xf32>
      %div3A_209 = vector.broadcast %sqrt3A_208 : vector<1x128xf32> to vector<64x128xf32>
      %div3A_210 = arith.divf %sub3A_204, %div3A_209 : vector<64x128xf32>
      %mul3A_211 = vector.broadcast %get3A_182 : vector<1x128xf32> to vector<64x128xf32>
      %mul3A_212 = arith.mulf %div3A_210, %mul3A_211 : vector<64x128xf32>
      %add3A_213 = vector.broadcast %get3A_185 : vector<1x128xf32> to vector<64x128xf32>
      %add3A_214 = arith.addf %mul3A_212, %add3A_213 : vector<64x128xf32>
      %max3A_215 = arith.constant 0.000000e+00 : f32
      %max3A_216 = vector.broadcast %max3A_215 : f32 to vector<64x128xf32>
      %max3A_217 = arith.maximumf %add3A_214, %max3A_216 : vector<64x128xf32>
      %get3A_218 = arith.constant 0 : index
      %get3A_219 = arith.constant 0 : index
      %get3A_220 = vector.load %arg31[%get3A_218, %get3A_219] : memref<128x128xf32, #tpu.memory_space<vmem>>, vector<128x128xf32>
      %dot_general3A_221 = arith.constant dense<0.000000e+00> : vector<64x128xf32>
      %dot_general3A_222 = tpu.matmul %max3A_217, %get3A_220, %dot_general3A_221 {dimension_numbers = #tpu.dot_dimension_numbers<[1], [0], [0], [1], [0, 0, 1, 1], [], []>, transpose_lhs_hint = false} : vector<64x128xf32>, vector<128x128xf32>, vector<64x128xf32> -> vector<64x128xf32>
      %slice3A = vector.extract_strided_slice %dot_general3A_222 {offsets = [0, 0], sizes = [64, 1], strides = [1, 1]} : vector<64x128xf32> to vector<64x1xf32>
      %get3A_223 = arith.constant 0 : index
      %get3A_224 = arith.constant 0 : index
      %get3A_225 = vector.load %arg32[%get3A_223, %get3A_224] : memref<1x1xf32, #tpu.memory_space<vmem>>, vector<1x1xf32>
      %get3A_226 = vector.extract %get3A_225[0, 0] : f32 from vector<1x1xf32>
      %add3A_227 = vector.broadcast %get3A_226 : f32 to vector<64x1xf32>
      %add3A_228 = arith.addf %slice3A, %add3A_227 : vector<64x1xf32>
      %swap3A = arith.constant 0 : index
      %swap3A_229 = arith.constant 0 : index
      %swap3A_230 = vector.load %arg33[%swap3A, %swap3A_229] : memref<64x1xf32, #tpu.memory_space<vmem>>, vector<64x1xf32>
      tpu.vector_store %arg33[%swap3A, %swap3A_229], %add3A_228 {strides = array<i32>} : memref<64x1xf32, #tpu.memory_space<vmem>>, vector<64x1xf32>,
    } else {
    }
    return
  }
  func.func @transform_0(%arg0: i32) -> (i32, i32) {
    %min3A = arith.constant 4 : i32
    %min3A_0 = arith.minsi %arg0, %min3A : i32
    %c0_i32 = arith.constant 0 : i32
    %c0_i32_1 = arith.constant 0 : i32
    return %min3A_0, %c0_i32 : i32, i32
  }
  func.func @transform_1(%arg0: i32) -> (i32, i32) {
    %min3A = arith.constant 4 : i32
    %min3A_0 = arith.minsi %arg0, %min3A : i32
    %c0_i32 = arith.constant 0 : i32
    %c0_i32_1 = arith.constant 0 : i32
    return %min3A_0, %c0_i32 : i32, i32
  }
  func.func @transform_2(%arg0: i32) -> (i32, i32) {
    %min3A = arith.constant 4 : i32
    %min3A_0 = arith.minsi %arg0, %min3A : i32
    %c0_i32 = arith.constant 0 : i32
    %c0_i32_1 = arith.constant 0 : i32
    return %min3A_0, %c0_i32 : i32, i32
  }
  func.func @transform_3(%arg0: i32) -> (i32, i32) {
    %c0_i32 = arith.constant 0 : i32
    %c0_i32_0 = arith.constant 0 : i32
    %c0_i32_1 = arith.constant 0 : i32
    return %c0_i32, %c0_i32_0 : i32, i32
  }
  func.func @transform_4(%arg0: i32) -> (i32, i32) {
    %c0_i32 = arith.constant 0 : i32
    %c0_i32_0 = arith.constant 0 : i32
    %c0_i32_1 = arith.constant 0 : i32
    return %c0_i32, %c0_i32_0 : i32, i32
  }
  func.func @transform_5(%arg0: i32) -> (i32, i32) {
    %c0_i32 = arith.constant 0 : i32
    %c0_i32_0 = arith.constant 0 : i32
    %c0_i32_1 = arith.constant 0 : i32
    return %c0_i32, %c0_i32_0 : i32, i32
  }
  func.func @transform_6(%arg0: i32) -> (i32, i32) {
    %c0_i32 = arith.constant 0 : i32
    %c0_i32_0 = arith.constant 0 : i32
    %c0_i32_1 = arith.constant 0 : i32
    return %c0_i32, %c0_i32_0 : i32, i32
  }
  func.func @transform_7(%arg0: i32) -> (i32, i32) {
    %c0_i32 = arith.constant 0 : i32
    %c0_i32_0 = arith.constant 0 : i32
    %c0_i32_1 = arith.constant 0 : i32
    return %c0_i32, %c0_i32_0 : i32, i32
  }
  func.func @transform_8(%arg0: i32) -> (i32, i32) {
    %c0_i32 = arith.constant 0 : i32
    %c0_i32_0 = arith.constant 0 : i32
    %c0_i32_1 = arith.constant 0 : i32
    return %c0_i32, %c0_i32_0 : i32, i32
  }
  func.func @transform_9(%arg0: i32) -> (i32, i32) {
    %c0_i32 = arith.constant 0 : i32
    %c0_i32_0 = arith.constant 0 : i32
    %c0_i32_1 = arith.constant 0 : i32
    return %c0_i32, %c0_i32_0 : i32, i32
  }
  func.func @transform_10(%arg0: i32) -> (i32, i32) {
    %c0_i32 = arith.constant 0 : i32
    %c0_i32_0 = arith.constant 0 : i32
    %c0_i32_1 = arith.constant 0 : i32
    return %c0_i32, %c0_i32_0 : i32, i32
  }
  func.func @transform_11(%arg0: i32) -> (i32, i32) {
    %c0_i32 = arith.constant 0 : i32
    %c0_i32_0 = arith.constant 0 : i32
    %c0_i32_1 = arith.constant 0 : i32
    return %c0_i32, %c0_i32_0 : i32, i32
  }
  func.func @transform_12(%arg0: i32) -> (i32, i32) {
    %c0_i32 = arith.constant 0 : i32
    %c0_i32_0 = arith.constant 0 : i32
    %c0_i32_1 = arith.constant 0 : i32
    return %c0_i32, %c0_i32_0 : i32, i32
  }
  func.func @transform_13(%arg0: i32) -> (i32, i32, i32) {
    %sub3A = arith.constant 10 : i32
    %sub3A_0 = arith.subi %arg0, %sub3A : i32
    %jit3A = arith.constant 0 : i32
    %jit3A_1 = arith.constant 4 : i32
    %max3A = arith.maxsi %jit3A, %sub3A_0 : i32
    %min3A = arith.minsi %jit3A_1, %max3A : i32
    %c0_i32 = arith.constant 0 : i32
    %c0_i32_2 = arith.constant 0 : i32
    %c0_i32_3 = arith.constant 0 : i32
    return %min3A, %c0_i32, %c0_i32_2 : i32, i32, i32
  }
  func.func @transform_14(%arg0: i32) -> (i32, i32) {
    %c0_i32 = arith.constant 0 : i32
    %c0_i32_0 = arith.constant 0 : i32
    %c0_i32_1 = arith.constant 0 : i32
    return %c0_i32, %c0_i32_0 : i32, i32
  }
  func.func @transform_15(%arg0: i32) -> (i32, i32) {
    %c0_i32 = arith.constant 0 : i32
    %c0_i32_0 = arith.constant 0 : i32
    %c0_i32_1 = arith.constant 0 : i32
    return %c0_i32, %c0_i32_0 : i32, i32
  }
  func.func @transform_16(%arg0: i32) -> (i32, i32) {
    %c0_i32 = arith.constant 0 : i32
    %c0_i32_0 = arith.constant 0 : i32
    %c0_i32_1 = arith.constant 0 : i32
    return %c0_i32, %c0_i32_0 : i32, i32
  }
  func.func @transform_17(%arg0: i32) -> (i32, i32) {
    %c0_i32 = arith.constant 0 : i32
    %c0_i32_0 = arith.constant 0 : i32
    %c0_i32_1 = arith.constant 0 : i32
    return %c0_i32, %c0_i32_0 : i32, i32
  }
  func.func @transform_18(%arg0: i32) -> (i32, i32) {
    %c0_i32 = arith.constant 0 : i32
    %c0_i32_0 = arith.constant 0 : i32
    %c0_i32_1 = arith.constant 0 : i32
    return %c0_i32, %c0_i32_0 : i32, i32
  }
  func.func @transform_19(%arg0: i32) -> (i32, i32) {
    %c0_i32 = arith.constant 0 : i32
    %c0_i32_0 = arith.constant 0 : i32
    %c0_i32_1 = arith.constant 0 : i32
    return %c0_i32, %c0_i32_0 : i32, i32
  }
  func.func @transform_20(%arg0: i32) -> (i32, i32) {
    %c0_i32 = arith.constant 0 : i32
    %c0_i32_0 = arith.constant 0 : i32
    %c0_i32_1 = arith.constant 0 : i32
    return %c0_i32, %c0_i32_0 : i32, i32
  }
  func.func @transform_21(%arg0: i32) -> (i32, i32) {
    %c0_i32 = arith.constant 0 : i32
    %c0_i32_0 = arith.constant 0 : i32
    %c0_i32_1 = arith.constant 0 : i32
    return %c0_i32, %c0_i32_0 : i32, i32
  }
  func.func @transform_22(%arg0: i32) -> (i32, i32) {
    %c0_i32 = arith.constant 0 : i32
    %c0_i32_0 = arith.constant 0 : i32
    %c0_i32_1 = arith.constant 0 : i32
    return %c0_i32, %c0_i32_0 : i32, i32
  }
  func.func @transform_23(%arg0: i32) -> (i32, i32) {
    %c0_i32 = arith.constant 0 : i32
    %c0_i32_0 = arith.constant 0 : i32
    %c0_i32_1 = arith.constant 0 : i32
    return %c0_i32, %c0_i32_0 : i32, i32
  }
  func.func @transform_24(%arg0: i32) -> (i32, i32) {
    %c0_i32 = arith.constant 0 : i32
    %c0_i32_0 = arith.constant 0 : i32
    %c0_i32_1 = arith.constant 0 : i32
    return %c0_i32, %c0_i32_0 : i32, i32
  }
  func.func @transform_25(%arg0: i32) -> (i32, i32) {
    %c0_i32 = arith.constant 0 : i32
    %c0_i32_0 = arith.constant 0 : i32
    %c0_i32_1 = arith.constant 0 : i32
    return %c0_i32, %c0_i32_0 : i32, i32
  }
  func.func @transform_26(%arg0: i32) -> (i32, i32) {
    %c0_i32 = arith.constant 0 : i32
    %c0_i32_0 = arith.constant 0 : i32
    %c0_i32_1 = arith.constant 0 : i32
    return %c0_i32, %c0_i32_0 : i32, i32
  }
  func.func @transform_27(%arg0: i32) -> (i32, i32) {
    %c0_i32 = arith.constant 0 : i32
    %c0_i32_0 = arith.constant 0 : i32
    %c0_i32_1 = arith.constant 0 : i32
    return %c0_i32, %c0_i32_0 : i32, i32
  }
  func.func @transform_28(%arg0: i32) -> (i32, i32) {
    %c0_i32 = arith.constant 0 : i32
    %c0_i32_0 = arith.constant 0 : i32
    %c0_i32_1 = arith.constant 0 : i32
    return %c0_i32, %c0_i32_0 : i32, i32
  }
  func.func @transform_29(%arg0: i32) -> (i32, i32) {
    %c0_i32 = arith.constant 0 : i32
    %c0_i32_0 = arith.constant 0 : i32
    %c0_i32_1 = arith.constant 0 : i32
    return %c0_i32, %c0_i32_0 : i32, i32
  }
  func.func @transform_30(%arg0: i32) -> (i32, i32) {
    %c0_i32 = arith.constant 0 : i32
    %c0_i32_0 = arith.constant 0 : i32
    %c0_i32_1 = arith.constant 0 : i32
    return %c0_i32, %c0_i32_0 : i32, i32
  }
  func.func @transform_31(%arg0: i32) -> (i32, i32) {
    %c0_i32 = arith.constant 0 : i32
    %c0_i32_0 = arith.constant 0 : i32
    %c0_i32_1 = arith.constant 0 : i32
    return %c0_i32, %c0_i32_0 : i32, i32
  }
  func.func @transform_32(%arg0: i32) -> (i32, i32) {
    %c0_i32 = arith.constant 0 : i32
    %c0_i32_0 = arith.constant 0 : i32
    %c0_i32_1 = arith.constant 0 : i32
    return %c0_i32, %c0_i32_0 : i32, i32
  }
}

</mosaic_0001>

<sc_bundles>
// kernel: kernel.4.cloned.1.call-start
scs
__scs_entry_jumppad:
0x0: {  	(pc) =	sbr.rel $0x88, $3  }
0x1: {  	(tag) =	ssettag $0x0;
	lr =	simm.s32 $0x1  }
0x2: {  	[smem:$0x3F82] =	sst lr;
	_ =	strace $0xD0000000  }
0x3: {  	_ = 	snop  }
0x4: {  	_ = 	snop  }
0x5: {  	_ = 	snop  }
0x6: {  	_ = 	snop  }
0x7: {  	_ = 	snop  }
__scs_overlays_trampoline_lowered:
0x8: {  	[smem:$0x3F91] =	sst s0  }
0x9: {  	[smem:$0x3F92] =	sst s1  }
0xa: {  	[smem:$0x3F93] =	sst s2  }
0xb: {  	[smem:$0x3F94] =	sst s3  }
0xc: {  	[smem:$0x3F95] =	sst s4  }
0xd: {  	[smem:$0x3F96] =	sst s5  }
0xe: {  	[smem:$0x3F97] =	sst s6  }
0xf: {  	[smem:$0x3F98] =	sst s7  }
0x10: {  	[smem:$0x3F99] =	sst s8  }
0x11: {  	[smem:$0x3F9A] =	sst s9;
	s0 =	simm.s32 @!p0 $0x0  }
0x12: {  	s1 =	sld [smem:$0x3F80];
	s0 =	simm.s32 @p0 $0x1  }
0x13: {  	[smem:$0x3F9B] =	sst s0;
	s0 =	simm.s32 @!p1 $0x0  }
0x14: {  	s2 =	sld [smem:$0x3F7F];
	s0 =	simm.s32 @p1 $0x1  }
0x15: {  	[smem:$0x3F9C] =	sst s0;
	s0 =	simm.s32 @!p2 $0x0  }
0x16: {  	s3 =	sld [smem:$0x3FDB];
	s0 =	simm.s32 @p2 $0x1  }
0x17: {  	s4 =	simm.s32 $0x1BF5;
	[smem:$0x3F9E] =	sst s0  }
0x18: {  	s0 =	sld [smem:$0x3F81];
	_ =	swait.ge [sflag:s4], $0x0  }
0x19: {  	s7 =	sld [smem:$0x3F82]  }
0x1a: {  	s8 =	sadd.s32 $0xFFFFE003, lr  }
0x1b: {  	s9 =	sadd.s32 $0xFFFFFEF7, lr;
	s5 =	simm.s32 $0xFFFFFFFF;
	p2 =	slt.u32 s8, $0xFFFFF086  }
0x1c: {  	p1 =	slt.u32 s9, $0xF7A;
	s5 =	simm.s32 @!p2 $0x0  }
0x1d: {  	s5 =	simm.s32 @p1 $0x1;
	p0 =	seq.s32 s7, s2  }
0x1e: {  	s7 =	smul.u32 @!p0 $0xF7A, s2;
	p2 =	seq.s32 @!p0 s5, $0x0  }
0x1f: {  	s9 =	smul.u32 $0xF7A, s1;
	s8 =	simm.s32 @!p0 $0x1BF5;
	p2 =	por !p2, p0  }
0x20: {  	[sflag:s8] =	ssyncset.s32 @!p0 $0xFFFFF086;
	s6 =	sadd.s32 @!p0 s3, s7;
	s7 =	simm.s32 @!p0 $0x108  }
0x21: {  	s3 =	sadd.s32 s3, s9;
	s6 =	sadd.s32 @!p0 $0x88, s6;
	s7 =	simm.s32 @p2 $0x1082  }
0x22: {  	[simem:s7], [sflag:s8] =	dma.local @!p0 [hbm:s6], $0xF7A  }
0x23: {  	s9 =	sor.u32 $0xD0000000, s2;
	s6 =	simm.s32 $0x108;
	_ =	swait.ge @!p0 [sflag:s8], $0x0  }
0x24: {  	s3 =	sadd.s32 $0x88, s3;
	s6 =	simm.s32 @!p1 $0x1082;
	[sflag:s4] =	ssyncset.s32 $0xFFFFF086  }
0x25: {  	[simem:s6], [sflag:s4] =	dma.local [hbm:s3], $0xF7A  }
0x26: {  	[smem:$0x3F82] =	sst s1;
	(tag) =	ssettag s2;
	_ =	strace s9  }
0x27: {  	s1 =	sld [smem:$0x3F92]  }
0x28: {  	s2 =	sld [smem:$0x3F93]  }
0x29: {  	s4 =	sld [smem:$0x3F95]  }
0x2a: {  	p0 =	seq.s32 s5, $0x0;
	s5 =	sld [smem:$0x3F96]  }
0x2b: {  	s6 =	sld [smem:$0x3F97]  }
0x2c: {  	s7 =	sld [smem:$0x3F98]  }
0x2d: {  	s3 =	simm.s32 $0x108;
	s8 =	sld [smem:$0x3F99]  }
0x2e: {  	s3 =	simm.s32 @!p0 $0x1082;
	s9 =	sld [smem:$0x3F9A]  }
0x2f: {  	lr =	sadd.s32 s0, s3;
	s0 =	sld [smem:$0x3F91]  }
0x30: {  	s3 =	sld [smem:$0x3F94]  }
0x31: {  	[smem:$0x3F9D] =	sst s10  }
0x32: {  	s10 =	sld [smem:$0x3F9B];
	_ =	sdelay $0x3  }
0x33: {  	p0 =	seq.s32 s10, $0x1;
	s10 =	sld [smem:$0x3F9D];
	_ =	sdelay $0x3  }
0x34: {  	[smem:$0x3F9D] =	sst s10  }
0x35: {  	s10 =	sld [smem:$0x3F9C];
	_ =	sdelay $0x3  }
0x36: {  	p1 =	seq.s32 s10, $0x1;
	s10 =	sld [smem:$0x3F9D];
	_ =	sdelay $0x3  }
0x37: {  	[smem:$0x3F9D] =	sst s10  }
0x38: {  	s10 =	sld [smem:$0x3F9E]  }
0x39: {  	_ = 	snop;
	(pc) =	sbr.ind lr, $3  }
0x3a: {  	_ = 	snop  }
0x3b: {  	_ = 	snop  }
0x3c: {  	p2 =	seq.s32 s10, $0x1;
	s10 =	sld [smem:$0x3F9D]  }
0x3d: {  	_ =	shalt  }
0x3e: {  	_ =	shalt  }
0x3f: {  	_ =	shalt  }
0x40: {  	_ =	shalt  }
0x41: {  	_ =	shalt  }
0x42: {  	_ =	shalt  }
0x43: {  	_ =	shalt  }
0x44: {  	_ =	shalt  }
0x45: {  	_ =	shalt  }
0x46: {  	_ =	shalt  }
0x47: {  	_ =	shalt  }
0x48: {  	_ =	shalt  }
0x49: {  	_ =	shalt  }
0x4a: {  	_ =	shalt  }
0x4b: {  	_ =	shalt  }
0x4c: {  	_ =	shalt  }
0x4d: {  	_ =	shalt  }
0x4e: {  	_ =	shalt  }
0x4f: {  	_ =	shalt  }
0x50: {  	_ =	shalt  }
0x51: {  	_ =	shalt  }
0x52: {  	_ =	shalt  }
0x53: {  	_ =	shalt  }
0x54: {  	_ =	shalt  }
0x55: {  	_ =	shalt  }
0x56: {  	_ =	shalt  }
0x57: {  	_ =	shalt  }
0x58: {  	_ =	shalt  }
0x59: {  	_ =	shalt  }
0x5a: {  	_ =	shalt  }
0x5b: {  	_ =	shalt  }
0x5c: {  	_ =	shalt  }
0x5d: {  	_ =	shalt  }
0x5e: {  	_ =	shalt  }
0x5f: {  	_ =	shalt  }
0x60: {  	_ =	shalt  }
0x61: {  	_ =	shalt  }
0x62: {  	_ =	shalt  }
0x63: {  	_ =	shalt  }
0x64: {  	_ =	shalt  }
0x65: {  	_ =	shalt  }
0x66: {  	_ =	shalt  }
0x67: {  	_ =	shalt  }
0x68: {  	_ =	shalt  }
0x69: {  	_ =	shalt  }
0x6a: {  	_ =	shalt  }
0x6b: {  	_ =	shalt  }
0x6c: {  	_ =	shalt  }
0x6d: {  	_ =	shalt  }
0x6e: {  	_ =	shalt  }
0x6f: {  	_ =	shalt  }
0x70: {  	_ =	shalt  }
0x71: {  	_ =	shalt  }
0x72: {  	_ =	shalt  }
0x73: {  	_ =	shalt  }
0x74: {  	_ =	shalt  }
0x75: {  	_ =	shalt  }
0x76: {  	_ =	shalt  }
0x77: {  	_ =	shalt  }
0x78: {  	_ =	shalt  }
0x79: {  	_ =	shalt  }
0x7a: {  	_ =	shalt  }
0x7b: {  	_ =	shalt  }
0x7c: {  	_ =	shalt  }
0x7d: {  	_ =	shalt  }
0x7e: {  	_ =	shalt  }
0x7f: {  	_ =	shalt  }
0x80: {  	_ =	shalt  }
0x81: {  	_ =	shalt  }
0x82: {  	_ =	shalt  }
0x83: {  	_ =	shalt  }
0x84: {  	_ =	shalt  }
0x85: {  	_ =	shalt  }
0x86: {  	_ =	shalt  }
0x87: {  	_ =	shalt  }
.Lfunc_end0:
.L_simem_size_0:
called_computation_lowered:
.L_overlay_start_0:
0x88: {  	s2 =	sld [smem:$0x3FD9]  }
0x89: {  	s3 =	sld [smem:$0x3FFE];
	_ =	sdelay $0x1  }
0x8a: {  	s1 =	srdreg.scid  }
0x8b: {  	s0 =	sand.u32 $0x1, s1  }
0x8c: {  	s17 =	sshll.u32 s0, $0xA;
	s2 =	sadd.s32 s3, s2  }
0x8d: {  	s2 =	sadd.s32 s2, s17  }
0x8e: {  	[smem:$0x3FA9] =	sst s2  }
0x8f: {  	_ = 	snop  }
0x90: {  	s2 =	sld [smem:$0x3FC9];
	(tm) =	ssettm $0x1  }
0x91: {  	s18 =	sld [smem:$0x3FFB];
	_ =	sdelay $0x3  }
0x92: {  	_ =	strace s18  }
0x93: {  	s3 =	sld [smem:$0x3FFC];
	_ =	sdelay $0x3  }
0x94: {  	_ =	strace s3  }
0x95: {  	s3 =	sld [smem:$0x3FFD];
	_ =	sdelay $0x3  }
0x96: {  	_ =	strace s3  }
0x97: {  	_ =	strace $0x8FFFFFFF  }
0x98: {  	s19 =	sld [smem:$0x3FDB];
	_ =	sdelay $0x1  }
0x99: {  	s4 =	simm.s32 $_scs_section_size  }
0x9a: {  	s5 =	simm.s32 $_size__tile_overlayer_lowered;
	s6 =	simm.s32 $_tile_overlayer_lowered  }
0x9b: {  	s22 =	simm.s32 $0x1BFF;
	s21 =	sshll.u32 s6, $0x1;
	s3 =	sadd.s32 s4, s19  }
0x9c: {  	s7 =	simm.s32 $0x0;
	s20 =	sshll.u32 s5, $0x1;
	s5 =	sadd.s32 s21, s3  }
0x9d: {  	[timem:s7], [sflag:s22] =	dma.local [hbm:s5], s20  }
0x9e: {  	_ =	swait.ge [sflag:s22], s20  }
0x9f: {  	s4 =	ssub.s32 $0x0, s20;
	[sflag:s22] =	ssyncset.done $0x0  }
0xa0: {  	[sflag:s22] =	ssyncadd.s32 s4;
	_ =	sdelay $0x1  }
0xa1: {  	s23 =	simm.s32 $0x1B8B  }
0xa2: {  	_ =	swait.ge [sflag:s23], $0x1  }
0xa3: {  	[sflag:s23] =	ssyncset.done $0x0  }
0xa4: {  	s25 =	simm.s32 $0x1B8E;
	s24 =	sld [smem:$0x3FFE];
	[sflag:s23] =	ssyncadd.s32 $0xFFFFFFFF  }
0xa5: {  	s26 =	simm.s32 $execute0_lowered;
	[smem:$0x3FD2] =	sst s25  }
0xa6: {  	s5 =	sshll.u32 s26, $0x1;
	_ =	strace $0x80000046;
	[dreg:$0x1] =	wrdreg $0xFFFFFFFF  }
0xa7: {  	s28 =	simm.s32 $_size_execute0_lowered;
	s3 =	sadd.s32 s3, s5;
	[dreg:$0x0] =	wrdreg $0x0  }
0xa8: {  	s5 =	sshll.u32 s28, $0x1;
	[dreg:$0x2] =	wrdreg s3  }
0xa9: {  	[dreg:$0x3] =	wrdreg s5  }
0xaa: {  	[dreg:$0x4] =	wrdreg $0xC0  }
0xab: {  	_ =	task [dreg:s7], $0x5FFFF  }
0xac: {  	[dreg:$0x1] =	wrdreg $0xFFFFFFFF  }
0xad: {  	[dreg:$0x0] =	wrdreg $0x60  }
0xae: {  	[dreg:$0x2] =	wrdreg s24  }
0xaf: {  	[dreg:$0x3] =	wrdreg s2  }
0xb0: {  	[dreg:$0x4] =	wrdreg $0xBF000  }
0xb1: {  	[dreg:$0x5] =	wrdreg $0x9  }
0xb2: {  	_ =	task.clear_ibuf [dreg:s7], $0x6FFFF;
	_ =	strace $0x90000046  }
0xb3: {  	s29 =	simm.s32 $0x9;
	_ =	strace $0x80000048  }
0xb4: {  	_ =	swait.ge [sflag:s29], $0x1  }
0xb5: {  	[sflag:s29] =	ssyncadd.s32 $0xFFFFFFFF  }
0xb6: {  	_ =	strace $0x90000048  }
0xb7: {  	_ =	sfence  }
0xb8: {  	s30 =	sld [smem:$0x0];
	_ =	sdelay $0x2  }
0xb9: {  	s31 =	sshll.u32 s1, $0xD;
	s1 =	sshrl.u32 s1, $0x2  }
0xba: {  	s3 =	sand.u32 $0x4000, s31;
	s1 =	sadd.s32 s1, s30  }
0xbb: {  	s0 =	sor.u32 s3, s0;
	s1 =	sshll.u32 s1, $0x11  }
0xbc: {  	s0 =	sor.u32 s1, s0  }
0xbd: {  	s0 =	sadd.s32 $0x8F2B, s0  }
0xbe: {  	[sflag:s0] =	ssyncadd.remote.s32 $0x1  }
0xbf: {  	_ =	sfence.sel $0xFFFF  }
0xc0: {  	[dreg:$0x0] =	wrdreg $0xFFFFFFFF;
	(pc) =	sbr.abs _section_cstart, $3  }
0xc1: {  	[dreg:$0x1] =	wrdreg $0xFFFFFFFF  }
0xc2: {  	_ =	task.clear_ibuf [dreg:s7], $0x2FFFF;
	_ =	strace $0x9FFFFFFF  }
0xc3: {  	(tm) =	ssettm $0x7FFFFFFF  }
tec
execute0_lowered:
.L_overlay_start_1:
0x0: {  	(tag) =	ssettag $0x1  }
0x1: {  	s0 =	rddreg [dreg:$0x0]  }
0x2: {  	s2 =	rddreg [dreg:$0x2];
	s1 =	srdreg.scid  }
0x3: {  	s4 =	simm.s32 $0x0;
	s7 =	stileid.u32;
	s19 =	simm.s32 $0x4F00  }
0x4: {  	s21 =	simm.s32 $0x9E80;
	s22 =	simm.s32 $0x1;
	s23 =	simm.s32 $0x2  }
0x5: {  	s24 =	simm.s32 $0x80;
	s28 =	simm.s32 $0x3;
	s29 =	simm.s32 $0x4  }
0x6: {  	s30 =	simm.s32 $0x0;
	s1 =	sand.u32 $0x1, s1;
	s9 =	smul.u32 $0x13880, s7  }
0x7: {  	[smem:$0x7FF] =	sst s4;
	s3 =	smul.u32 $0x138800, s1;
	s5 =	sshll.u32 s1, $0x4  }
0x8: {  	_ =	strace $0x80000047;
	s1 =	ssub.s32 $0x2, s1;
	s5 =	sor.u32 s7, s5  }
0x9: {  	s6 =	sshrl.u32 s1, $0x1;
	s7 =	smul.u32 $0x50000, s7;
	s31 =	sadd.s32 s9, s2  }
0xa: {  	s5 =	smul.u32 $0x4E2, s5;
	s3 =	sadd.s32 s9, s3;
	s1 =	ssub.s32 s1, s6  }
0xb: {  	s3 =	sshrl.u32 s3, $0x3;
	s26 =	sshrl.u32 s7, $0x2;
	s9 =	smax.u32 s1, $0x1  }
0xc: {  	s8 =	sadd.s32 s5, s0;
	s0 =	sadd.s32 s3, s0;
	s7 =	sadd.s32 s26, s2  }
0xd: {  	s26 =	simm.s32 $0xBE80;
	s25 =	sadd.s32 $0xCE00, s8;
	s6 =	sadd.s32 $0x3000, s8  }
0xe: {  	s8 =	sadd.s32 $0x16C00, s0;
	s10 =	sadd.s32 $0x2000, s7;
	s11 =	sadd.s32 $0x4000, s7  }
0xf: {  	s12 =	sadd.s32 $0x6000, s7;
	s13 =	sadd.s32 $0x8000, s7;
	s14 =	sadd.s32 $0xA000, s7  }
0x10: {  	s15 =	sadd.s32 $0xC000, s7;
	s16 =	sadd.s32 $0xE000, s7;
	s17 =	sadd.s32 $0x10000, s7  }
0x11: {  	v0 =	vimm.f32 $0.0e+00;
	v1 =	vimm.f32 $1.000000000e+00;
	v2 =	vimm.s32 $0x138800;
	s18 =	sadd.s32 $0x12000, s7;
	[dreg:$0x4] =	wrdreg s25;
	s25 =	sshrl.u32 s31, $0x3  }
.LBB2_1:
0x12: {  	s0 =	rddreg [dreg:$0x1]  }
0x13: {  	[tilespmem:s19], [sflag:$0x1] =	stream.linear.gather [hbm4b:s0+s4], $0x2780, $0x38;
	[tilespmem:$0x1FF00] =	vst v63  }
0x14: {  	s20 =	rddreg [dreg:$0x4]  }
0x15: {  	[tilespmem:s4], [sflag:$0x1] =	stream.linear.gather [hbm4b:s20+s4], $0x2710, $0x38;
	[tilespmem:$0x1FF00] =	vst v63  }
0x16: {  	s31 =	simm.s32 $0x2780;
	s1 =	simm.s32 $0x0;
	s0 =	simm.s32 $0x40  }
0x17: {  	[tilespmem:s31], [sflag:$0x1] =	stream.linear.gather [hbm4b:s6+s4], $0x2710, $0x38;
	[tilespmem:$0x1FF00] =	vst v63  }
.LBB2_2:
0x18: {  	p0 =	sne.s32 s0, $0x7FC0;
	[tilespmem:s1+$0x9E80] =	vst v0;
	s1 =	smov.u32 s0;
	s0 =	sadd.s32 $0x40, s0  }
.Ltmp0:
0x19: {  	(pc) =	sbr.rel @p0 .LBB2_2-.Ltmp0, $2  }
0x1a: {  	_ =	sdelay $0x2  }
0x1b: {  	s1 =	sshra.s32 s1, $0x2  }
0x1c: {  	[tilespmem:s1+$0x9E80] =	vst v0  }
0x1d: {  	[spmem:s7] =	stream.linear.scatter [tilespmem:s21], [sflag:$0x2], $0x2000, $0x38;
	[tilespmem:$0x1FF00] =	vst v63  }
0x1e: {  	_ = 	snop  }
0x1f: {  	[spmem:s10] =	stream.linear.scatter [tilespmem:s21], [sflag:$0x2], $0x2000, $0x38;
	[tilespmem:$0x1FF00] =	vst v63  }
0x20: {  	_ = 	snop  }
0x21: {  	[spmem:s11] =	stream.linear.scatter [tilespmem:s21], [sflag:$0x2], $0x2000, $0x38;
	[tilespmem:$0x1FF00] =	vst v63  }
0x22: {  	_ = 	snop  }
0x23: {  	[spmem:s12] =	stream.linear.scatter [tilespmem:s21], [sflag:$0x2], $0x2000, $0x38;
	[tilespmem:$0x1FF00] =	vst v63  }
0x24: {  	_ = 	snop  }
0x25: {  	[spmem:s13] =	stream.linear.scatter [tilespmem:s21], [sflag:$0x2], $0x2000, $0x38;
	[tilespmem:$0x1FF00] =	vst v63  }
0x26: {  	_ = 	snop  }
0x27: {  	[spmem:s14] =	stream.linear.scatter [tilespmem:s21], [sflag:$0x2], $0x2000, $0x38;
	[tilespmem:$0x1FF00] =	vst v63  }
0x28: {  	_ = 	snop  }
0x29: {  	[spmem:s15] =	stream.linear.scatter [tilespmem:s21], [sflag:$0x2], $0x2000, $0x38;
	[tilespmem:$0x1FF00] =	vst v63  }
0x2a: {  	_ = 	snop  }
0x2b: {  	[spmem:s16] =	stream.linear.scatter [tilespmem:s21], [sflag:$0x2], $0x2000, $0x38;
	[tilespmem:$0x1FF00] =	vst v63  }
0x2c: {  	_ = 	snop  }
0x2d: {  	[spmem:s17] =	stream.linear.scatter [tilespmem:s21], [sflag:$0x2], $0x2000, $0x38;
	[tilespmem:$0x1FF00] =	vst v63  }
0x2e: {  	_ = 	snop  }
0x2f: {  	[spmem:s18] =	stream.linear.scatter [tilespmem:s21], [sflag:$0x2], $0x2000, $0x38;
	[tilespmem:$0x1FF00] =	vst v63  }
0x30: {  	[tilespmem:$0xBE80] =	vst v1  }
0x31: {  	[tilespmem:$0xBE90] =	vst v1  }
0x32: {  	[tilespmem:$0xBEA0] =	vst v1  }
0x33: {  	[tilespmem:$0xBEB0] =	vst v1  }
0x34: {  	[tilespmem:$0xBEC0] =	vst v1  }
0x35: {  	[tilespmem:$0xBED0] =	vst v1  }
0x36: {  	[tilespmem:$0xBEE0] =	vst v1  }
0x37: {  	[tilespmem:$0xBEF0] =	vst v1  }
0x38: {  	[tilespmem:$0x9D80] =	vst v2  }
0x39: {  	[tilespmem:$0x9E00] =	vst v2  }
0x3a: {  	[tilespmem:$0x9D90] =	vst v2  }
0x3b: {  	[tilespmem:$0x9E10] =	vst v2  }
0x3c: {  	[tilespmem:$0x9DA0] =	vst v2  }
0x3d: {  	[tilespmem:$0x9E20] =	vst v2  }
0x3e: {  	[tilespmem:$0x9DB0] =	vst v2  }
0x3f: {  	[tilespmem:$0x9E30] =	vst v2  }
0x40: {  	[tilespmem:$0x9DC0] =	vst v2  }
0x41: {  	[tilespmem:$0x9E40] =	vst v2  }
0x42: {  	[tilespmem:$0x9DD0] =	vst v2  }
0x43: {  	[tilespmem:$0x9E50] =	vst v2  }
0x44: {  	[tilespmem:$0x9DE0] =	vst v2  }
0x45: {  	[tilespmem:$0x9E60] =	vst v2  }
0x46: {  	[tilespmem:$0x9DF0] =	vst v2  }
0x47: {  	[tilespmem:$0x9E70] =	vst v2  }
0x48: {  	_ =	swait.ge [sflag:s22], $0x2780  }
0x49: {  	[sflag:s22] =	ssyncset.done $0x0  }
0x4a: {  	[sflag:s22] =	ssyncadd.s32 $0xFFFFD880  }
0x4b: {  	_ =	swait.ge [sflag:s22], $0x2710  }
0x4c: {  	[sflag:s22] =	ssyncset.done $0x0  }
0x4d: {  	[sflag:s22] =	ssyncadd.s32 $0xFFFFD8F0  }
0x4e: {  	_ =	swait.ge [sflag:s22], $0x2710  }
0x4f: {  	[sflag:s22] =	ssyncset.done $0x0  }
0x50: {  	s0 =	simm.s32 $0x0;
	[sflag:s22] =	ssyncadd.s32 $0xFFFFD8F0  }
0x51: {  	v3 =	vld [tilespmem:s0+$0x0];
	_ =	sdelay $0x6  }
0x52: {  	v4 =	vld [tilespmem:s0+$0x2780]  }
0x53: {  	v3 =	vld.idx.msk [tilespmem:v3+s19+$0x0], $0xffff;
	_ =	sdelay $0x1  }
0x54: {  	s31 =	simm.s32 $0x0  }
0x55: {  	s20 =	sand.u32 $0xFE00, s31  }
0x56: {  	s3 =	sand.u32 $0x70, s31;
	s20 =	sshrl.u32 s20, $0x2;
	v4 =	vshll.u32 v4, $0x7  }
0x57: {  	s1 =	simm.s32 $0x80;
	s3 =	sor.u32 s3, s20;
	s0 =	simm.s32 $0x40;
	v3 =	vadd.s32 v3, v4  }
.LBB2_4:
0x58: {  	s20 =	sshra.s32 s0, $0x2  }
0x59: {  	[tilespmem:s3+$0x7680] =	vst v3;
	s31 =	sadd.s32 $0x10, s31;
	s3 =	smov.u32 s1;
	s5 =	sadd.s32 $0x40, s1  }
0x5a: {  	p0 =	sne.s32 s1, $0x9C00;
	v3 =	vld [tilespmem:s20+$0x0];
	_ =	sdelay $0x6  }
0x5b: {  	v4 =	vld [tilespmem:s20+$0x2780]  }
0x5c: {  	v3 =	vld.idx.msk [tilespmem:v3+s19+$0x0], $0xffff;
	_ =	sdelay $0x1  }
.Ltmp1:
0x5d: {  	(pc) =	sbr.rel @p0 .LBB2_4-.Ltmp1, $4  }
0x5e: {  	_ = 	snop  }
0x5f: {  	s1 =	sand.u32 $0xFE00, s0;
	s0 =	smov.u32 s3  }
0x60: {  	s3 =	sand.u32 $0x70, s31;
	s1 =	sshrl.u32 s1, $0x2;
	v4 =	vshll.u32 v4, $0x7  }
0x61: {  	s3 =	sor.u32 s3, s1;
	s1 =	smov.u32 s5;
	v3 =	vadd.s32 v3, v4  }
0x62: {  	s1 =	sshra.s32 s0, $0x2;
	[tilespmem:s3+$0x7680] =	vst v3  }
0x63: {  	v3 =	vld [tilespmem:s1+$0x0];
	_ =	sdelay $0x6  }
0x64: {  	v4 =	vld [tilespmem:s1+$0x2780]  }
0x65: {  	v3 =	vld.idx.msk [tilespmem:v3+s19+$0x0], $0xffff;
	_ =	sdelay $0x2  }
0x66: {  	s20 =	sadd.s32 $0x10, s31;
	s31 =	sand.u32 $0xFE00, s0  }
0x67: {  	s1 =	sand.u32 $0x70, s20;
	s0 =	sshrl.u32 s31, $0x2;
	v4 =	vshll.u32 v4, $0x7  }
0x68: {  	s0 =	sor.u32 s1, s0;
	v3 =	vadd.s32 v3, v4  }
0x69: {  	[tilespmem:s0+$0x7680] =	vst v3  }
0x6a: {  	_ =	swait.ge [sflag:s23], $0x2000  }
0x6b: {  	[sflag:s23] =	ssyncset.done $0x0  }
0x6c: {  	[sflag:s23] =	ssyncadd.s32 $0xFFFFE000  }
0x6d: {  	_ =	swait.ge [sflag:s23], $0x2000  }
0x6e: {  	[sflag:s23] =	ssyncset.done $0x0  }
0x6f: {  	[sflag:s23] =	ssyncadd.s32 $0xFFFFE000  }
0x70: {  	_ =	swait.ge [sflag:s23], $0x2000  }
0x71: {  	[sflag:s23] =	ssyncset.done $0x0  }
0x72: {  	[sflag:s23] =	ssyncadd.s32 $0xFFFFE000  }
0x73: {  	_ =	swait.ge [sflag:s23], $0x2000  }
0x74: {  	[sflag:s23] =	ssyncset.done $0x0  }
0x75: {  	[sflag:s23] =	ssyncadd.s32 $0xFFFFE000  }
0x76: {  	_ =	swait.ge [sflag:s23], $0x2000  }
0x77: {  	[sflag:s23] =	ssyncset.done $0x0  }
0x78: {  	[sflag:s23] =	ssyncadd.s32 $0xFFFFE000  }
0x79: {  	_ =	swait.ge [sflag:s23], $0x2000  }
0x7a: {  	[sflag:s23] =	ssyncset.done $0x0  }
0x7b: {  	[sflag:s23] =	ssyncadd.s32 $0xFFFFE000  }
0x7c: {  	_ =	swait.ge [sflag:s23], $0x2000  }
0x7d: {  	[sflag:s23] =	ssyncset.done $0x0  }
0x7e: {  	[sflag:s23] =	ssyncadd.s32 $0xFFFFE000  }
0x7f: {  	_ =	swait.ge [sflag:s23], $0x2000  }
0x80: {  	[sflag:s23] =	ssyncset.done $0x0  }
0x81: {  	[sflag:s23] =	ssyncadd.s32 $0xFFFFE000  }
0x82: {  	_ =	swait.ge [sflag:s23], $0x2000  }
0x83: {  	[sflag:s23] =	ssyncset.done $0x0  }
0x84: {  	[sflag:s23] =	ssyncadd.s32 $0xFFFFE000  }
0x85: {  	_ =	swait.ge [sflag:s23], $0x2000  }
0x86: {  	[sflag:s23] =	ssyncset.done $0x0  }
0x87: {  	[sflag:s23] =	ssyncadd.s32 $0xFFFFE000  }
0x88: {  	s0 =	simm.s32 $0x0;
	[bflag:$0x0] =	sbarrier.arrive $0xFFFF  }
.LBB2_6:
0x89: {  	p0 =	sne.s32 s0, $0x9E00  }
.Ltmp2:
0x8a: {  	_ = 	snop;
	(pc) =	sbr.rel @p0 .LBB2_6-.Ltmp2, $4  }
0x8b: {  	_ = 	snop  }
0x8c: {  	s1 =	sshra.s32 s0, $0x2  }
0x8d: {  	s0 =	sadd.s32 $0x200, s0;
	s1 =	sadd.s32 $0x7680, s1  }
0x8e: {  	[spmem:s2] =	stream.indirect.scatter.add.f32 [tilespmem:s26], [sflag:$0x3], $0x1, s1, s24, $0xb8;
	[tilespmem:$0x1FF00] =	vst v63  }
0x8f: {  	_ =	swait.ge [sflag:s28], $0x80  }
0x90: {  	s0 =	simm.s32 $0x4F;
	[sflag:s28] =	ssyncset.done $0x0  }
.LBB2_8:
0x91: {  	p0 =	sne.s32 s0, $0x1;
	s0 =	sadd.s32 $0xFFFFFFFF, s0;
	[sflag:s28] =	ssyncadd.s32 $0xFFFFFF80  }
.Ltmp3:
0x92: {  	(pc) =	sbr.rel @p0 .LBB2_8-.Ltmp3, $3  }
0x93: {  	_ =	sdelay $0x1  }
0x94: {  	_ =	swait.ge [sflag:s28], $0x80  }
0x95: {  	[sflag:s28] =	ssyncset.done $0x0  }
0x96: {  	s0 =	stileid.u32;
	s30 =	sadd.s32 $0x1, s30  }
0x97: {  	[sflag:s28] =	ssyncadd.s32 $0xFFFFFF80;
	s0 =	sshll.u32 s0, $0x6;
	p0 =	sne.s32 s30, s9  }
.Ltmp4:
0x98: {  	[bflag:$0x0] =	sbarrier.arrive $0xFFFF;
	s0 =	sor.u32 $0x1C04, s0;
	(pc) =	sbr.rel @p0 .LBB2_1-.Ltmp4, $4  }
0x99: {  	[hbm:s8], [sflag:s0] =	dma.local [spmem:s25], $0x2710  }
0x9a: {  	_ =	swait.ge [sflag:s29], $0x2710  }
0x9b: {  	[sflag:s29] =	ssyncset.done $0x0  }
0x9c: {  	[sflag:s29] =	ssyncadd.s32 $0xFFFFD8F0  }
0x9d: {  	_ =	sfence.sel $0x180000  }
0x9e: {  	[bflag:$0x0] =	sbarrier.arrive $0xFFFF  }
0x9f: {  	_ =	strace $0x90000047  }
0xa0: {  	s0 =	stileid.u32;
	[bflag:$0x2] =	sbarrier.arrive $0xFFFF  }
0xa1: {  	p0 =	sne.s32 s0, $0x0;
	s0 =	rddreg [dreg:$0x3]  }
0xa2: {  	s0 =	sadd.s32 @!p0 $0x100000, s0  }
0xa3: {  	[sflag:s0] =	ssyncadd.tile.s32 @!p0 $0x1;
	_ =	shalt  }
.Lfunc_end2:
_tile_overlayer_lowered:
.L_overlay_start_2:
0xa4: {  	(tag) =	ssettag $0x2  }
0xa5: {  	s0 =	rddreg [dreg:$0x0];
	s2 =	stileid.u32  }
0xa6: {  	s1 =	rddreg [dreg:$0x1];
	p0 =	sne.s32 s2, $0x0  }
0xa7: {  	s3 =	rddreg [dreg:$0x2];
	[bflag:$0x3] =	sbarrier.arrive $0xFFFF;
	s2 =	simm.s32 @!p0 $0x1C04  }
0xa8: {  	[timem:s3], [sflag:s2] =	dma.local @!p0 [hbm:s0], s1  }
0xa9: {  	s0 =	simm.s32 @!p0 $0x4  }
0xaa: {  	_ =	swait.ge @!p0 [sflag:s0], s1  }
0xab: {  	s1 =	ssub.s32 @!p0 $0x0, s1;
	[sflag:s0] =	ssyncset.done @!p0 $0x0  }
0xac: {  	[sflag:s0] =	ssyncadd.s32 @!p0 s1  }
0xad: {  	[bflag:$0x3] =	sbarrier.arrive $0xFFFF  }
0xae: {  	_ =	shalt  }

</sc_bundles>
